<compile_context>
chip_gen: v7x
topology: tpu7x:2x2x1
jax: 0.10.2.dev20260603
libtpu: 0.0.44.dev20260713+nightly
codegen_flags: <defaults>
</compile_context>

<pallas_src>
import functools

import jax
import jax.numpy as jnp
from jax import lax
from jax.experimental import pallas as pl
from jax.experimental.pallas import tpu as pltpu
from jax.experimental.pallas import tpu_sc as plsc

_B, _C, _H, _W = 4, 384, 32, 32
_HW = _H * _W
_H2, _W2 = 16, 16
_HW2 = _H2 * _W2
_L = 16
_NV = _C // _L


def _dot(a, b, dims):
    return jax.lax.dot_general(a, b, (dims, ((), ())),
                               preferred_element_type=jnp.float32)


def _sim_kernel(fp_ref, fms_ref, rt_ref, wgt_ref, idx_ref):
    iota_c = jax.lax.broadcasted_iota(jnp.int32, (_C, _C), 1)
    fp = fp_ref[0]
    fms = fms_ref[0]
    p_d = fp - jnp.mean(fp, axis=1, keepdims=True)
    p_n = jnp.sqrt(jnp.sum(p_d * p_d, axis=1, keepdims=True))
    ms_res = _dot(fms, rt_ref[...], ((1,), (0,)))
    ms_mean = jnp.mean(ms_res, axis=1, keepdims=True)
    msq = jnp.sum(ms_res * ms_res, axis=1, keepdims=True)
    m_n = jnp.sqrt(msq - _HW * ms_mean * ms_mean)
    denom = m_n * p_n * 0.01
    s = _dot(ms_res, p_d, ((1,), (1,))) / denom
    mv = jnp.max(s, axis=1, keepdims=True)
    idx = jnp.min(jnp.where(s == mv, iota_c, _C), axis=1, keepdims=True)
    e = jnp.exp(mv - jnp.max(mv))
    wgt_ref[0] = jnp.transpose(e / jnp.sum(e))
    idx_ref[0] = jnp.transpose(idx)


def _sc_scatter(wgt_hbm, idx_hbm, sums_hbm, listk_hbm,
                idx_v, wgt_v, sums_v, cnt_v, out16_v):
    b = lax.axis_index("s") * 2 + lax.axis_index("c")

    @pl.when(b < _B)
    def _():
        pltpu.sync_copy(idx_hbm.at[b], idx_v)
        pltpu.sync_copy(wgt_hbm.at[b], wgt_v)
        for j in range(_NV):
            sums_v[pl.ds(j * _L, _L)] = jnp.zeros((_L,), jnp.float32)
            cnt_v[pl.ds(j * _L, _L)] = jnp.zeros((_L,), jnp.int32)
        for j in range(_NV):
            ix = idx_v[pl.ds(j * _L, _L)]
            plsc.addupdate_scatter(sums_v, [ix], wgt_v[pl.ds(j * _L, _L)])
            plsc.addupdate_scatter(cnt_v, [ix],
                                   jnp.ones((_L,), jnp.int32))
        acc = jnp.zeros((_L,), jnp.int32)
        for j in range(_NV):
            acc = acc + (cnt_v[pl.ds(j * _L, _L)] > 0).astype(jnp.int32)
        out16_v[...] = jnp.broadcast_to(jnp.sum(acc), (_L,))
        pltpu.sync_copy(sums_v, sums_hbm.at[b])
        pltpu.sync_copy(out16_v, listk_hbm.at[b])


def _sel_kernel(fp_ref, sums_ref, listk_ref, out_ref):
    iota_r = jax.lax.broadcasted_iota(jnp.int32, (_C, _C), 0)
    iota_c = jax.lax.broadcasted_iota(jnp.int32, (_C, _C), 1)
    min_k = (jnp.min(listk_ref[...]) + 1) // 2
    sums = sums_ref[0]
    scol = jnp.transpose(sums)
    before = (sums > scol) | ((sums == scol) & (iota_c > iota_r))
    rank = jnp.sum(before.astype(jnp.int32), axis=1, keepdims=True)
    selm = rank < min_k
    mx = jnp.max(sums)
    w = jnp.where(selm, jnp.exp(scol - mx), 0.0)
    w = w / jnp.sum(w)
    fp = fp_ref[0]
    sig = jax.nn.sigmoid(fp)
    maskv = _dot(jnp.transpose(w), sig, ((1,), (0,)))
    out_ref[0] = fp * (1.0 + maskv)


def kernel(f_p, f_ms):
    B, C, H, W = f_p.shape
    a = jax.image.resize(jnp.eye(_H2, dtype=jnp.float32), (_H, _H2),
                         method="bilinear")
    rt = jnp.transpose(jnp.kron(a, a))
    fp_flat = f_p.reshape(B, C, H * W)
    fms_flat = f_ms.reshape(B, C, _HW2)

    wgt, idx = pl.pallas_call(
        _sim_kernel,
        grid=(B,),
        out_shape=(
            jax.ShapeDtypeStruct((B, 1, C), jnp.float32),
            jax.ShapeDtypeStruct((B, 1, C), jnp.int32),
        ),
        in_specs=[
            pl.BlockSpec((1, C, H * W), lambda b: (b, 0, 0)),
            pl.BlockSpec((1, C, _HW2), lambda b: (b, 0, 0)),
            pl.BlockSpec((_HW2, H * W), lambda b: (0, 0)),
        ],
        out_specs=(
            pl.BlockSpec((1, 1, C), lambda b: (b, 0, 0)),
            pl.BlockSpec((1, 1, C), lambda b: (b, 0, 0)),
        ),
    )(fp_flat, fms_flat, rt)

    sc_fn = functools.partial(
        pl.kernel,
        mesh=plsc.VectorSubcoreMesh(core_axis_name="c", subcore_axis_name="s"),
        out_type=(
            jax.ShapeDtypeStruct((B, C), jnp.float32),
            jax.ShapeDtypeStruct((B, _L), jnp.int32),
        ),
        scratch_types=[
            pltpu.VMEM((C,), jnp.int32),
            pltpu.VMEM((C,), jnp.float32),
            pltpu.VMEM((C,), jnp.float32),
            pltpu.VMEM((C,), jnp.int32),
            pltpu.VMEM((_L,), jnp.int32),
        ],
        compiler_params=pltpu.CompilerParams(
            needs_layout_passes=False, use_tc_tiling_on_sc=False),
    )(_sc_scatter)
    sums, listk = sc_fn(wgt.reshape(B, C), idx.reshape(B, C))

    out = pl.pallas_call(
        _sel_kernel,
        grid=(B,),
        out_shape=jax.ShapeDtypeStruct((B, C, H * W), jnp.float32),
        in_specs=[
            pl.BlockSpec((1, C, H * W), lambda b: (b, 0, 0)),
            pl.BlockSpec((1, 1, C), lambda b: (b, 0, 0)),
            pl.BlockSpec((B, 1, _L), lambda b: (0, 0, 0)),
        ],
        out_specs=pl.BlockSpec((1, C, H * W), lambda b: (b, 0, 0)),
    )(fp_flat, sums.reshape(B, 1, C), listk.reshape(B, 1, _L))
    return out.reshape(B, C, H, W)

# --- scband reference (transcript-rebuilt; emitter-appended) ---
"""Pipeline reference for scband-mu-infor-spatial-23605140259218 (READ-ONLY COPY).

The authoritative reference and input builder live on the scoring server;
editing this copy changes nothing except your own understanding.
"""

import jax, jax.numpy as jnp
import numpy as np
import math


def _similarity(f_p, f_ms):
    B, C, h1, w1 = f_p.shape
    f_ms_t = jax.image.resize(f_ms, (f_ms.shape[0], f_ms.shape[1], h1, w1), method='bilinear')
    f_ms_1 = f_ms_t.reshape(f_ms_t.shape[0], f_ms_t.shape[1], -1)
    f_p_1 = f_p.reshape(B, C, -1)
    f_ms_delta = f_ms_1 - jnp.mean(f_ms_1, axis=2, keepdims=True)
    f_p_delta = f_p_1 - jnp.mean(f_p_1, axis=2, keepdims=True)
    f_p_delta_sum = jnp.sqrt(jnp.sum(f_p_delta ** 2, axis=2))
    f_ms_delta_sum = jnp.sqrt(jnp.sum(f_ms_delta ** 2, axis=2))
    f_p_delta_t = jnp.transpose(f_p_delta, (0, 2, 1))
    s_m_t1 = (f_ms_delta_sum * f_p_delta_sum) / 100.0
    s_m = jnp.matmul(f_ms_delta, f_p_delta_t) / s_m_t1[:, :, None]
    return s_m


def _similarity_select(s_m):
    B, M, N = s_m.shape
    idx = jnp.argmax(s_m, axis=2)
    mv = jnp.max(s_m, axis=2)
    e = jnp.exp(mv - jnp.max(mv, axis=1, keepdims=True))
    max_val = e / jnp.sum(e, axis=1, keepdims=True)
    u = jnp.arange(N, dtype=idx.dtype)
    hits = idx[:, None, :] == u[None, :, None]
    sums = jnp.sum(jnp.where(hits, max_val[:, None, :], 0.0), axis=2).astype(jnp.float32)
    present = jnp.any(hits, axis=2)
    list_k = jnp.sum(present, axis=1)
    min_k = (jnp.min(list_k) + 1) // 2
    neg_u = jnp.broadcast_to(-u, sums.shape)
    order = jnp.lexsort((neg_u, -sums), axis=1)
    scores = jnp.take_along_axis(sums, order, axis=1)
    idxs = order
    return scores, idxs, min_k


def setup_inputs(seed: int = 0) -> dict:
    key = jax.random.key(seed)
    k1, k2 = jax.random.split(key)
    f_p = jax.random.normal(k1, (4, 384, 32, 32), dtype=jnp.float32)
    f_ms = jax.random.normal(k2, (4, 384, 16, 16), dtype=jnp.float32)
    return {"f_p": f_p, "f_ms": f_ms}


def reference(f_p, f_ms):
    s_m = _similarity(f_p, f_ms)
    selected_score, selected_idx, min_k = _similarity_select(s_m)
    sel = jnp.stack([jnp.take(f_p[k], selected_idx[k], axis=0) for k in range(f_p.shape[0])])
    sel = jax.nn.sigmoid(sel)
    valid = jnp.arange(selected_score.shape[1]) < min_k
    masked_score = jnp.where(valid[None, :], selected_score, -jnp.inf)
    mx = jnp.max(masked_score, axis=1, keepdims=True)
    ew = jnp.where(valid[None, :], jnp.exp(selected_score - mx), 0.0)
    sc = (ew / jnp.sum(ew, axis=1, keepdims=True))[:, :, None, None]
    mask = jnp.sum(sc * sel, axis=1)[:, None, :, :]
    rel = f_p + f_p * mask
    return rel

if __name__ == "__main__":
    import jax
    _d = setup_inputs()
    print(jax.jit(kernel)(*tuple(_d.values())))

</pallas_src>

<mosaic_0001>
#map = affine_map<(d0, d1) -> (0, 0)>
module attributes {stable_mosaic.version = 14 : i64} {
  func.func @_sc_scatter(%arg0: i32, %arg1: i32, %arg2: memref<4x384xf32, #tpu.memory_space<hbm>>, %arg3: memref<4x384xi32, #tpu.memory_space<hbm>>, %arg4: memref<4x384xf32, #tpu.memory_space<hbm>>, %arg5: memref<4x16xi32, #tpu.memory_space<hbm>>, %arg6: memref<384xi32, #tpu.memory_space<vmem>>, %arg7: memref<384xf32, #tpu.memory_space<vmem>>, %arg8: memref<384xf32, #tpu.memory_space<vmem>>, %arg9: memref<384xi32, #tpu.memory_space<vmem>>, %arg10: memref<16xi32, #tpu.memory_space<vmem>>) attributes {dimension_semantics = [#tpu.dimension_semantics<core_parallel>, #tpu.dimension_semantics<subcore_parallel>], iteration_bounds = array<i64: 2, 16>, scalar_prefetch = 0 : i64, scratch_operands = 5 : i64, tpu.core_type = #tpu.core_type<sc_vector_subcore>, window_params = [{transform_indices = #map}, {transform_indices = #map}, {transform_indices = #map}, {transform_indices = #map}]} {
    %mul3A = arith.constant 2 : i32
    %mul3A_0 = arith.muli %arg1, %mul3A : i32
    %add3A = arith.addi %mul3A_0, %arg0 : i32
    %lt3A = arith.constant 4 : i32
    %lt3A_1 = arith.cmpi slt, %add3A, %lt3A : i32
    %convert_element_type3A = arith.extui %lt3A_1 : i1 to i32
    %cond3A = arith.constant 0 : i32
    %cond3A_2 = arith.cmpi ne, %convert_element_type3A, %cond3A : i32
    scf.if %cond3A_2 {
      "tpu.region"() ({
        %run_scoped3A = tpu.sem_alloc : memref<!tpu.dma_semaphore, #tpu.memory_space<semaphore_mem>>
        %dma_start3A = arith.constant 0 : i32
        %dma_start3A_511 = tpu.memref_slice %arg3[%add3A, %dma_start3A] : memref<4x384xi32, #tpu.memory_space<hbm>> -> memref<1x384xi32, #tpu.memory_space<hbm>>
        %dma_start3A_512 = tpu.memref_squeeze %dma_start3A_511 : memref<1x384xi32, #tpu.memory_space<hbm>> -> memref<384xi32, #tpu.memory_space<hbm>>
        %dma_start3A_513 = arith.constant 0 : i32
        %dma_start3A_514 = tpu.memref_slice %arg3[%add3A, %dma_start3A_513] : memref<4x384xi32, #tpu.memory_space<hbm>> -> memref<1x384xi32, #tpu.memory_space<hbm>>
        %dma_start3A_515 = tpu.memref_squeeze %dma_start3A_514 : memref<1x384xi32, #tpu.memory_space<hbm>> -> memref<384xi32, #tpu.memory_space<hbm>>
        tpu.enqueue_dma source(%dma_start3A_515 : memref<384xi32, #tpu.memory_space<hbm>>) target(%arg6 : memref<384xi32, #tpu.memory_space<vmem>>) target_semaphore(%run_scoped3A : memref<!tpu.dma_semaphore, #tpu.memory_space<semaphore_mem>>)
        %dma_wait3A = arith.constant 0 : i32
        %dma_wait3A_516 = tpu.memref_slice %arg3[%add3A, %dma_wait3A] : memref<4x384xi32, #tpu.memory_space<hbm>> -> memref<1x384xi32, #tpu.memory_space<hbm>>
        %dma_wait3A_517 = tpu.memref_squeeze %dma_wait3A_516 : memref<1x384xi32, #tpu.memory_space<hbm>> -> memref<384xi32, #tpu.memory_space<hbm>>
        %dma_wait3A_518 = arith.constant 0 : i32
        %dma_wait3A_519 = tpu.memref_slice %arg3[%add3A, %dma_wait3A_518] : memref<4x384xi32, #tpu.memory_space<hbm>> -> memref<1x384xi32, #tpu.memory_space<hbm>>
        %dma_wait3A_520 = tpu.memref_squeeze %dma_wait3A_519 : memref<1x384xi32, #tpu.memory_space<hbm>> -> memref<384xi32, #tpu.memory_space<hbm>>
        tpu.wait_dma2 semaphore(%run_scoped3A : memref<!tpu.dma_semaphore, #tpu.memory_space<semaphore_mem>>) src(%dma_wait3A_520 : memref<384xi32, #tpu.memory_space<hbm>>) dst(%arg6 : memref<384xi32, #tpu.memory_space<vmem>>)
        tpu.yield
      }) : () -> ()
      "tpu.region"() ({
        %run_scoped3A = tpu.sem_alloc : memref<!tpu.dma_semaphore, #tpu.memory_space<semaphore_mem>>
        %dma_start3A = arith.constant 0 : i32
        %dma_start3A_511 = tpu.memref_slice %arg2[%add3A, %dma_start3A] : memref<4x384xf32, #tpu.memory_space<hbm>> -> memref<1x384xf32, #tpu.memory_space<hbm>>
        %dma_start3A_512 = tpu.memref_squeeze %dma_start3A_511 : memref<1x384xf32, #tpu.memory_space<hbm>> -> memref<384xf32, #tpu.memory_space<hbm>>
        %dma_start3A_513 = arith.constant 0 : i32
        %dma_start3A_514 = tpu.memref_slice %arg2[%add3A, %dma_start3A_513] : memref<4x384xf32, #tpu.memory_space<hbm>> -> memref<1x384xf32, #tpu.memory_space<hbm>>
        %dma_start3A_515 = tpu.memref_squeeze %dma_start3A_514 : memref<1x384xf32, #tpu.memory_space<hbm>> -> memref<384xf32, #tpu.memory_space<hbm>>
        tpu.enqueue_dma source(%dma_start3A_515 : memref<384xf32, #tpu.memory_space<hbm>>) target(%arg7 : memref<384xf32, #tpu.memory_space<vmem>>) target_semaphore(%run_scoped3A : memref<!tpu.dma_semaphore, #tpu.memory_space<semaphore_mem>>)
        %dma_wait3A = arith.constant 0 : i32
        %dma_wait3A_516 = tpu.memref_slice %arg2[%add3A, %dma_wait3A] : memref<4x384xf32, #tpu.memory_space<hbm>> -> memref<1x384xf32, #tpu.memory_space<hbm>>
        %dma_wait3A_517 = tpu.memref_squeeze %dma_wait3A_516 : memref<1x384xf32, #tpu.memory_space<hbm>> -> memref<384xf32, #tpu.memory_space<hbm>>
        %dma_wait3A_518 = arith.constant 0 : i32
        %dma_wait3A_519 = tpu.memref_slice %arg2[%add3A, %dma_wait3A_518] : memref<4x384xf32, #tpu.memory_space<hbm>> -> memref<1x384xf32, #tpu.memory_space<hbm>>
        %dma_wait3A_520 = tpu.memref_squeeze %dma_wait3A_519 : memref<1x384xf32, #tpu.memory_space<hbm>> -> memref<384xf32, #tpu.memory_space<hbm>>
        tpu.wait_dma2 semaphore(%run_scoped3A : memref<!tpu.dma_semaphore, #tpu.memory_space<semaphore_mem>>) src(%dma_wait3A_520 : memref<384xf32, #tpu.memory_space<hbm>>) dst(%arg7 : memref<384xf32, #tpu.memory_space<vmem>>)
        tpu.yield
      }) : () -> ()
      %broadcast_in_dim3A = arith.constant 0.000000e+00 : f32
      %broadcast_in_dim3A_3 = vector.broadcast %broadcast_in_dim3A : f32 to vector<16xf32>
      %swap3A = arith.constant 0 : index
      %swap3A_4 = tpu.vector_load %arg8[%swap3A] {strides = array<i32>} : memref<384xf32, #tpu.memory_space<vmem>>, vector<16xf32>,
      tpu.vector_store %arg8[%swap3A], %broadcast_in_dim3A_3 {strides = array<i32>} : memref<384xf32, #tpu.memory_space<vmem>>, vector<16xf32>,
      %broadcast_in_dim3A_5 = arith.constant 0 : i32
      %broadcast_in_dim3A_6 = vector.broadcast %broadcast_in_dim3A_5 : i32 to vector<16xi32>
      %swap3A_7 = arith.constant 0 : index
      %swap3A_8 = tpu.vector_load %arg9[%swap3A_7] {strides = array<i32>} : memref<384xi32, #tpu.memory_space<vmem>>, vector<16xi32>,
      tpu.vector_store %arg9[%swap3A_7], %broadcast_in_dim3A_6 {strides = array<i32>} : memref<384xi32, #tpu.memory_space<vmem>>, vector<16xi32>,
      %broadcast_in_dim3A_9 = arith.constant 0.000000e+00 : f32
      %broadcast_in_dim3A_10 = vector.broadcast %broadcast_in_dim3A_9 : f32 to vector<16xf32>
      %swap3A_11 = arith.constant 16 : index
      %swap3A_12 = tpu.vector_load %arg8[%swap3A_11] {strides = array<i32>} : memref<384xf32, #tpu.memory_space<vmem>>, vector<16xf32>,
      tpu.vector_store %arg8[%swap3A_11], %broadcast_in_dim3A_10 {strides = array<i32>} : memref<384xf32, #tpu.memory_space<vmem>>, vector<16xf32>,
      %broadcast_in_dim3A_13 = arith.constant 0 : i32
      %broadcast_in_dim3A_14 = vector.broadcast %broadcast_in_dim3A_13 : i32 to vector<16xi32>
      %swap3A_15 = arith.constant 16 : index
      %swap3A_16 = tpu.vector_load %arg9[%swap3A_15] {strides = array<i32>} : memref<384xi32, #tpu.memory_space<vmem>>, vector<16xi32>,
      tpu.vector_store %arg9[%swap3A_15], %broadcast_in_dim3A_14 {strides = array<i32>} : memref<384xi32, #tpu.memory_space<vmem>>, vector<16xi32>,
      %broadcast_in_dim3A_17 = arith.constant 0.000000e+00 : f32
      %broadcast_in_dim3A_18 = vector.broadcast %broadcast_in_dim3A_17 : f32 to vector<16xf32>
      %swap3A_19 = arith.constant 32 : index
      %swap3A_20 = tpu.vector_load %arg8[%swap3A_19] {strides = array<i32>} : memref<384xf32, #tpu.memory_space<vmem>>, vector<16xf32>,
      tpu.vector_store %arg8[%swap3A_19], %broadcast_in_dim3A_18 {strides = array<i32>} : memref<384xf32, #tpu.memory_space<vmem>>, vector<16xf32>,
      %broadcast_in_dim3A_21 = arith.constant 0 : i32
      %broadcast_in_dim3A_22 = vector.broadcast %broadcast_in_dim3A_21 : i32 to vector<16xi32>
      %swap3A_23 = arith.constant 32 : index
      %swap3A_24 = tpu.vector_load %arg9[%swap3A_23] {strides = array<i32>} : memref<384xi32, #tpu.memory_space<vmem>>, vector<16xi32>,
      tpu.vector_store %arg9[%swap3A_23], %broadcast_in_dim3A_22 {strides = array<i32>} : memref<384xi32, #tpu.memory_space<vmem>>, vector<16xi32>,
      %broadcast_in_dim3A_25 = arith.constant 0.000000e+00 : f32
      %broadcast_in_dim3A_26 = vector.broadcast %broadcast_in_dim3A_25 : f32 to vector<16xf32>
      %swap3A_27 = arith.constant 48 : index
      %swap3A_28 = tpu.vector_load %arg8[%swap3A_27] {strides = array<i32>} : memref<384xf32, #tpu.memory_space<vmem>>, vector<16xf32>,
      tpu.vector_store %arg8[%swap3A_27], %broadcast_in_dim3A_26 {strides = array<i32>} : memref<384xf32, #tpu.memory_space<vmem>>, vector<16xf32>,
      %broadcast_in_dim3A_29 = arith.constant 0 : i32
      %broadcast_in_dim3A_30 = vector.broadcast %broadcast_in_dim3A_29 : i32 to vector<16xi32>
      %swap3A_31 = arith.constant 48 : index
      %swap3A_32 = tpu.vector_load %arg9[%swap3A_31] {strides = array<i32>} : memref<384xi32, #tpu.memory_space<vmem>>, vector<16xi32>,
      tpu.vector_store %arg9[%swap3A_31], %broadcast_in_dim3A_30 {strides = array<i32>} : memref<384xi32, #tpu.memory_space<vmem>>, vector<16xi32>,
      %broadcast_in_dim3A_33 = arith.constant 0.000000e+00 : f32
      %broadcast_in_dim3A_34 = vector.broadcast %broadcast_in_dim3A_33 : f32 to vector<16xf32>
      %swap3A_35 = arith.constant 64 : index
      %swap3A_36 = tpu.vector_load %arg8[%swap3A_35] {strides = array<i32>} : memref<384xf32, #tpu.memory_space<vmem>>, vector<16xf32>,
      tpu.vector_store %arg8[%swap3A_35], %broadcast_in_dim3A_34 {strides = array<i32>} : memref<384xf32, #tpu.memory_space<vmem>>, vector<16xf32>,
      %broadcast_in_dim3A_37 = arith.constant 0 : i32
      %broadcast_in_dim3A_38 = vector.broadcast %broadcast_in_dim3A_37 : i32 to vector<16xi32>
      %swap3A_39 = arith.constant 64 : index
      %swap3A_40 = tpu.vector_load %arg9[%swap3A_39] {strides = array<i32>} : memref<384xi32, #tpu.memory_space<vmem>>, vector<16xi32>,
      tpu.vector_store %arg9[%swap3A_39], %broadcast_in_dim3A_38 {strides = array<i32>} : memref<384xi32, #tpu.memory_space<vmem>>, vector<16xi32>,
      %broadcast_in_dim3A_41 = arith.constant 0.000000e+00 : f32
      %broadcast_in_dim3A_42 = vector.broadcast %broadcast_in_dim3A_41 : f32 to vector<16xf32>
      %swap3A_43 = arith.constant 80 : index
      %swap3A_44 = tpu.vector_load %arg8[%swap3A_43] {strides = array<i32>} : memref<384xf32, #tpu.memory_space<vmem>>, vector<16xf32>,
      tpu.vector_store %arg8[%swap3A_43], %broadcast_in_dim3A_42 {strides = array<i32>} : memref<384xf32, #tpu.memory_space<vmem>>, vector<16xf32>,
      %broadcast_in_dim3A_45 = arith.constant 0 : i32
      %broadcast_in_dim3A_46 = vector.broadcast %broadcast_in_dim3A_45 : i32 to vector<16xi32>
      %swap3A_47 = arith.constant 80 : index
      %swap3A_48 = tpu.vector_load %arg9[%swap3A_47] {strides = array<i32>} : memref<384xi32, #tpu.memory_space<vmem>>, vector<16xi32>,
      tpu.vector_store %arg9[%swap3A_47], %broadcast_in_dim3A_46 {strides = array<i32>} : memref<384xi32, #tpu.memory_space<vmem>>, vector<16xi32>,
      %broadcast_in_dim3A_49 = arith.constant 0.000000e+00 : f32
      %broadcast_in_dim3A_50 = vector.broadcast %broadcast_in_dim3A_49 : f32 to vector<16xf32>
      %swap3A_51 = arith.constant 96 : index
      %swap3A_52 = tpu.vector_load %arg8[%swap3A_51] {strides = array<i32>} : memref<384xf32, #tpu.memory_space<vmem>>, vector<16xf32>,
      tpu.vector_store %arg8[%swap3A_51], %broadcast_in_dim3A_50 {strides = array<i32>} : memref<384xf32, #tpu.memory_space<vmem>>, vector<16xf32>,
      %broadcast_in_dim3A_53 = arith.constant 0 : i32
      %broadcast_in_dim3A_54 = vector.broadcast %broadcast_in_dim3A_53 : i32 to vector<16xi32>
      %swap3A_55 = arith.constant 96 : index
      %swap3A_56 = tpu.vector_load %arg9[%swap3A_55] {strides = array<i32>} : memref<384xi32, #tpu.memory_space<vmem>>, vector<16xi32>,
      tpu.vector_store %arg9[%swap3A_55], %broadcast_in_dim3A_54 {strides = array<i32>} : memref<384xi32, #tpu.memory_space<vmem>>, vector<16xi32>,
      %broadcast_in_dim3A_57 = arith.constant 0.000000e+00 : f32
      %broadcast_in_dim3A_58 = vector.broadcast %broadcast_in_dim3A_57 : f32 to vector<16xf32>
      %swap3A_59 = arith.constant 112 : index
      %swap3A_60 = tpu.vector_load %arg8[%swap3A_59] {strides = array<i32>} : memref<384xf32, #tpu.memory_space<vmem>>, vector<16xf32>,
      tpu.vector_store %arg8[%swap3A_59], %broadcast_in_dim3A_58 {strides = array<i32>} : memref<384xf32, #tpu.memory_space<vmem>>, vector<16xf32>,
      %broadcast_in_dim3A_61 = arith.constant 0 : i32
      %broadcast_in_dim3A_62 = vector.broadcast %broadcast_in_dim3A_61 : i32 to vector<16xi32>
      %swap3A_63 = arith.constant 112 : index
      %swap3A_64 = tpu.vector_load %arg9[%swap3A_63] {strides = array<i32>} : memref<384xi32, #tpu.memory_space<vmem>>, vector<16xi32>,
      tpu.vector_store %arg9[%swap3A_63], %broadcast_in_dim3A_62 {strides = array<i32>} : memref<384xi32, #tpu.memory_space<vmem>>, vector<16xi32>,
      %broadcast_in_dim3A_65 = arith.constant 0.000000e+00 : f32
      %broadcast_in_dim3A_66 = vector.broadcast %broadcast_in_dim3A_65 : f32 to vector<16xf32>
      %swap3A_67 = arith.constant 128 : index
      %swap3A_68 = tpu.vector_load %arg8[%swap3A_67] {strides = array<i32>} : memref<384xf32, #tpu.memory_space<vmem>>, vector<16xf32>,
      tpu.vector_store %arg8[%swap3A_67], %broadcast_in_dim3A_66 {strides = array<i32>} : memref<384xf32, #tpu.memory_space<vmem>>, vector<16xf32>,
      %broadcast_in_dim3A_69 = arith.constant 0 : i32
      %broadcast_in_dim3A_70 = vector.broadcast %broadcast_in_dim3A_69 : i32 to vector<16xi32>
      %swap3A_71 = arith.constant 128 : index
      %swap3A_72 = tpu.vector_load %arg9[%swap3A_71] {strides = array<i32>} : memref<384xi32, #tpu.memory_space<vmem>>, vector<16xi32>,
      tpu.vector_store %arg9[%swap3A_71], %broadcast_in_dim3A_70 {strides = array<i32>} : memref<384xi32, #tpu.memory_space<vmem>>, vector<16xi32>,
      %broadcast_in_dim3A_73 = arith.constant 0.000000e+00 : f32
      %broadcast_in_dim3A_74 = vector.broadcast %broadcast_in_dim3A_73 : f32 to vector<16xf32>
      %swap3A_75 = arith.constant 144 : index
      %swap3A_76 = tpu.vector_load %arg8[%swap3A_75] {strides = array<i32>} : memref<384xf32, #tpu.memory_space<vmem>>, vector<16xf32>,
      tpu.vector_store %arg8[%swap3A_75], %broadcast_in_dim3A_74 {strides = array<i32>} : memref<384xf32, #tpu.memory_space<vmem>>, vector<16xf32>,
      %broadcast_in_dim3A_77 = arith.constant 0 : i32
      %broadcast_in_dim3A_78 = vector.broadcast %broadcast_in_dim3A_77 : i32 to vector<16xi32>
      %swap3A_79 = arith.constant 144 : index
      %swap3A_80 = tpu.vector_load %arg9[%swap3A_79] {strides = array<i32>} : memref<384xi32, #tpu.memory_space<vmem>>, vector<16xi32>,
      tpu.vector_store %arg9[%swap3A_79], %broadcast_in_dim3A_78 {strides = array<i32>} : memref<384xi32, #tpu.memory_space<vmem>>, vector<16xi32>,
      %broadcast_in_dim3A_81 = arith.constant 0.000000e+00 : f32
      %broadcast_in_dim3A_82 = vector.broadcast %broadcast_in_dim3A_81 : f32 to vector<16xf32>
      %swap3A_83 = arith.constant 160 : index
      %swap3A_84 = tpu.vector_load %arg8[%swap3A_83] {strides = array<i32>} : memref<384xf32, #tpu.memory_space<vmem>>, vector<16xf32>,
      tpu.vector_store %arg8[%swap3A_83], %broadcast_in_dim3A_82 {strides = array<i32>} : memref<384xf32, #tpu.memory_space<vmem>>, vector<16xf32>,
      %broadcast_in_dim3A_85 = arith.constant 0 : i32
      %broadcast_in_dim3A_86 = vector.broadcast %broadcast_in_dim3A_85 : i32 to vector<16xi32>
      %swap3A_87 = arith.constant 160 : index
      %swap3A_88 = tpu.vector_load %arg9[%swap3A_87] {strides = array<i32>} : memref<384xi32, #tpu.memory_space<vmem>>, vector<16xi32>,
      tpu.vector_store %arg9[%swap3A_87], %broadcast_in_dim3A_86 {strides = array<i32>} : memref<384xi32, #tpu.memory_space<vmem>>, vector<16xi32>,
      %broadcast_in_dim3A_89 = arith.constant 0.000000e+00 : f32
      %broadcast_in_dim3A_90 = vector.broadcast %broadcast_in_dim3A_89 : f32 to vector<16xf32>
      %swap3A_91 = arith.constant 176 : index
      %swap3A_92 = tpu.vector_load %arg8[%swap3A_91] {strides = array<i32>} : memref<384xf32, #tpu.memory_space<vmem>>, vector<16xf32>,
      tpu.vector_store %arg8[%swap3A_91], %broadcast_in_dim3A_90 {strides = array<i32>} : memref<384xf32, #tpu.memory_space<vmem>>, vector<16xf32>,
      %broadcast_in_dim3A_93 = arith.constant 0 : i32
      %broadcast_in_dim3A_94 = vector.broadcast %broadcast_in_dim3A_93 : i32 to vector<16xi32>
      %swap3A_95 = arith.constant 176 : index
      %swap3A_96 = tpu.vector_load %arg9[%swap3A_95] {strides = array<i32>} : memref<384xi32, #tpu.memory_space<vmem>>, vector<16xi32>,
      tpu.vector_store %arg9[%swap3A_95], %broadcast_in_dim3A_94 {strides = array<i32>} : memref<384xi32, #tpu.memory_space<vmem>>, vector<16xi32>,
      %broadcast_in_dim3A_97 = arith.constant 0.000000e+00 : f32
      %broadcast_in_dim3A_98 = vector.broadcast %broadcast_in_dim3A_97 : f32 to vector<16xf32>
      %swap3A_99 = arith.constant 192 : index
      %swap3A_100 = tpu.vector_load %arg8[%swap3A_99] {strides = array<i32>} : memref<384xf32, #tpu.memory_space<vmem>>, vector<16xf32>,
      tpu.vector_store %arg8[%swap3A_99], %broadcast_in_dim3A_98 {strides = array<i32>} : memref<384xf32, #tpu.memory_space<vmem>>, vector<16xf32>,
      %broadcast_in_dim3A_101 = arith.constant 0 : i32
      %broadcast_in_dim3A_102 = vector.broadcast %broadcast_in_dim3A_101 : i32 to vector<16xi32>
      %swap3A_103 = arith.constant 192 : index
      %swap3A_104 = tpu.vector_load %arg9[%swap3A_103] {strides = array<i32>} : memref<384xi32, #tpu.memory_space<vmem>>, vector<16xi32>,
      tpu.vector_store %arg9[%swap3A_103], %broadcast_in_dim3A_102 {strides = array<i32>} : memref<384xi32, #tpu.memory_space<vmem>>, vector<16xi32>,
      %broadcast_in_dim3A_105 = arith.constant 0.000000e+00 : f32
      %broadcast_in_dim3A_106 = vector.broadcast %broadcast_in_dim3A_105 : f32 to vector<16xf32>
      %swap3A_107 = arith.constant 208 : index
      %swap3A_108 = tpu.vector_load %arg8[%swap3A_107] {strides = array<i32>} : memref<384xf32, #tpu.memory_space<vmem>>, vector<16xf32>,
      tpu.vector_store %arg8[%swap3A_107], %broadcast_in_dim3A_106 {strides = array<i32>} : memref<384xf32, #tpu.memory_space<vmem>>, vector<16xf32>,
      %broadcast_in_dim3A_109 = arith.constant 0 : i32
      %broadcast_in_dim3A_110 = vector.broadcast %broadcast_in_dim3A_109 : i32 to vector<16xi32>
      %swap3A_111 = arith.constant 208 : index
      %swap3A_112 = tpu.vector_load %arg9[%swap3A_111] {strides = array<i32>} : memref<384xi32, #tpu.memory_space<vmem>>, vector<16xi32>,
      tpu.vector_store %arg9[%swap3A_111], %broadcast_in_dim3A_110 {strides = array<i32>} : memref<384xi32, #tpu.memory_space<vmem>>, vector<16xi32>,
      %broadcast_in_dim3A_113 = arith.constant 0.000000e+00 : f32
      %broadcast_in_dim3A_114 = vector.broadcast %broadcast_in_dim3A_113 : f32 to vector<16xf32>
      %swap3A_115 = arith.constant 224 : index
      %swap3A_116 = tpu.vector_load %arg8[%swap3A_115] {strides = array<i32>} : memref<384xf32, #tpu.memory_space<vmem>>, vector<16xf32>,
      tpu.vector_store %arg8[%swap3A_115], %broadcast_in_dim3A_114 {strides = array<i32>} : memref<384xf32, #tpu.memory_space<vmem>>, vector<16xf32>,
      %broadcast_in_dim3A_117 = arith.constant 0 : i32
      %broadcast_in_dim3A_118 = vector.broadcast %broadcast_in_dim3A_117 : i32 to vector<16xi32>
      %swap3A_119 = arith.constant 224 : index
      %swap3A_120 = tpu.vector_load %arg9[%swap3A_119] {strides = array<i32>} : memref<384xi32, #tpu.memory_space<vmem>>, vector<16xi32>,
      tpu.vector_store %arg9[%swap3A_119], %broadcast_in_dim3A_118 {strides = array<i32>} : memref<384xi32, #tpu.memory_space<vmem>>, vector<16xi32>,
      %broadcast_in_dim3A_121 = arith.constant 0.000000e+00 : f32
      %broadcast_in_dim3A_122 = vector.broadcast %broadcast_in_dim3A_121 : f32 to vector<16xf32>
      %swap3A_123 = arith.constant 240 : index
      %swap3A_124 = tpu.vector_load %arg8[%swap3A_123] {strides = array<i32>} : memref<384xf32, #tpu.memory_space<vmem>>, vector<16xf32>,
      tpu.vector_store %arg8[%swap3A_123], %broadcast_in_dim3A_122 {strides = array<i32>} : memref<384xf32, #tpu.memory_space<vmem>>, vector<16xf32>,
      %broadcast_in_dim3A_125 = arith.constant 0 : i32
      %broadcast_in_dim3A_126 = vector.broadcast %broadcast_in_dim3A_125 : i32 to vector<16xi32>
      %swap3A_127 = arith.constant 240 : index
      %swap3A_128 = tpu.vector_load %arg9[%swap3A_127] {strides = array<i32>} : memref<384xi32, #tpu.memory_space<vmem>>, vector<16xi32>,
      tpu.vector_store %arg9[%swap3A_127], %broadcast_in_dim3A_126 {strides = array<i32>} : memref<384xi32, #tpu.memory_space<vmem>>, vector<16xi32>,
      %broadcast_in_dim3A_129 = arith.constant 0.000000e+00 : f32
      %broadcast_in_dim3A_130 = vector.broadcast %broadcast_in_dim3A_129 : f32 to vector<16xf32>
      %swap3A_131 = arith.constant 256 : index
      %swap3A_132 = tpu.vector_load %arg8[%swap3A_131] {strides = array<i32>} : memref<384xf32, #tpu.memory_space<vmem>>, vector<16xf32>,
      tpu.vector_store %arg8[%swap3A_131], %broadcast_in_dim3A_130 {strides = array<i32>} : memref<384xf32, #tpu.memory_space<vmem>>, vector<16xf32>,
      %broadcast_in_dim3A_133 = arith.constant 0 : i32
      %broadcast_in_dim3A_134 = vector.broadcast %broadcast_in_dim3A_133 : i32 to vector<16xi32>
      %swap3A_135 = arith.constant 256 : index
      %swap3A_136 = tpu.vector_load %arg9[%swap3A_135] {strides = array<i32>} : memref<384xi32, #tpu.memory_space<vmem>>, vector<16xi32>,
      tpu.vector_store %arg9[%swap3A_135], %broadcast_in_dim3A_134 {strides = array<i32>} : memref<384xi32, #tpu.memory_space<vmem>>, vector<16xi32>,
      %broadcast_in_dim3A_137 = arith.constant 0.000000e+00 : f32
      %broadcast_in_dim3A_138 = vector.broadcast %broadcast_in_dim3A_137 : f32 to vector<16xf32>
      %swap3A_139 = arith.constant 272 : index
      %swap3A_140 = tpu.vector_load %arg8[%swap3A_139] {strides = array<i32>} : memref<384xf32, #tpu.memory_space<vmem>>, vector<16xf32>,
      tpu.vector_store %arg8[%swap3A_139], %broadcast_in_dim3A_138 {strides = array<i32>} : memref<384xf32, #tpu.memory_space<vmem>>, vector<16xf32>,
      %broadcast_in_dim3A_141 = arith.constant 0 : i32
      %broadcast_in_dim3A_142 = vector.broadcast %broadcast_in_dim3A_141 : i32 to vector<16xi32>
      %swap3A_143 = arith.constant 272 : index
      %swap3A_144 = tpu.vector_load %arg9[%swap3A_143] {strides = array<i32>} : memref<384xi32, #tpu.memory_space<vmem>>, vector<16xi32>,
      tpu.vector_store %arg9[%swap3A_143], %broadcast_in_dim3A_142 {strides = array<i32>} : memref<384xi32, #tpu.memory_space<vmem>>, vector<16xi32>,
      %broadcast_in_dim3A_145 = arith.constant 0.000000e+00 : f32
      %broadcast_in_dim3A_146 = vector.broadcast %broadcast_in_dim3A_145 : f32 to vector<16xf32>
      %swap3A_147 = arith.constant 288 : index
      %swap3A_148 = tpu.vector_load %arg8[%swap3A_147] {strides = array<i32>} : memref<384xf32, #tpu.memory_space<vmem>>, vector<16xf32>,
      tpu.vector_store %arg8[%swap3A_147], %broadcast_in_dim3A_146 {strides = array<i32>} : memref<384xf32, #tpu.memory_space<vmem>>, vector<16xf32>,
      %broadcast_in_dim3A_149 = arith.constant 0 : i32
      %broadcast_in_dim3A_150 = vector.broadcast %broadcast_in_dim3A_149 : i32 to vector<16xi32>
      %swap3A_151 = arith.constant 288 : index
      %swap3A_152 = tpu.vector_load %arg9[%swap3A_151] {strides = array<i32>} : memref<384xi32, #tpu.memory_space<vmem>>, vector<16xi32>,
      tpu.vector_store %arg9[%swap3A_151], %broadcast_in_dim3A_150 {strides = array<i32>} : memref<384xi32, #tpu.memory_space<vmem>>, vector<16xi32>,
      %broadcast_in_dim3A_153 = arith.constant 0.000000e+00 : f32
      %broadcast_in_dim3A_154 = vector.broadcast %broadcast_in_dim3A_153 : f32 to vector<16xf32>
      %swap3A_155 = arith.constant 304 : index
      %swap3A_156 = tpu.vector_load %arg8[%swap3A_155] {strides = array<i32>} : memref<384xf32, #tpu.memory_space<vmem>>, vector<16xf32>,
      tpu.vector_store %arg8[%swap3A_155], %broadcast_in_dim3A_154 {strides = array<i32>} : memref<384xf32, #tpu.memory_space<vmem>>, vector<16xf32>,
      %broadcast_in_dim3A_157 = arith.constant 0 : i32
      %broadcast_in_dim3A_158 = vector.broadcast %broadcast_in_dim3A_157 : i32 to vector<16xi32>
      %swap3A_159 = arith.constant 304 : index
      %swap3A_160 = tpu.vector_load %arg9[%swap3A_159] {strides = array<i32>} : memref<384xi32, #tpu.memory_space<vmem>>, vector<16xi32>,
      tpu.vector_store %arg9[%swap3A_159], %broadcast_in_dim3A_158 {strides = array<i32>} : memref<384xi32, #tpu.memory_space<vmem>>, vector<16xi32>,
      %broadcast_in_dim3A_161 = arith.constant 0.000000e+00 : f32
      %broadcast_in_dim3A_162 = vector.broadcast %broadcast_in_dim3A_161 : f32 to vector<16xf32>
      %swap3A_163 = arith.constant 320 : index
      %swap3A_164 = tpu.vector_load %arg8[%swap3A_163] {strides = array<i32>} : memref<384xf32, #tpu.memory_space<vmem>>, vector<16xf32>,
      tpu.vector_store %arg8[%swap3A_163], %broadcast_in_dim3A_162 {strides = array<i32>} : memref<384xf32, #tpu.memory_space<vmem>>, vector<16xf32>,
      %broadcast_in_dim3A_165 = arith.constant 0 : i32
      %broadcast_in_dim3A_166 = vector.broadcast %broadcast_in_dim3A_165 : i32 to vector<16xi32>
      %swap3A_167 = arith.constant 320 : index
      %swap3A_168 = tpu.vector_load %arg9[%swap3A_167] {strides = array<i32>} : memref<384xi32, #tpu.memory_space<vmem>>, vector<16xi32>,
      tpu.vector_store %arg9[%swap3A_167], %broadcast_in_dim3A_166 {strides = array<i32>} : memref<384xi32, #tpu.memory_space<vmem>>, vector<16xi32>,
      %broadcast_in_dim3A_169 = arith.constant 0.000000e+00 : f32
      %broadcast_in_dim3A_170 = vector.broadcast %broadcast_in_dim3A_169 : f32 to vector<16xf32>
      %swap3A_171 = arith.constant 336 : index
      %swap3A_172 = tpu.vector_load %arg8[%swap3A_171] {strides = array<i32>} : memref<384xf32, #tpu.memory_space<vmem>>, vector<16xf32>,
      tpu.vector_store %arg8[%swap3A_171], %broadcast_in_dim3A_170 {strides = array<i32>} : memref<384xf32, #tpu.memory_space<vmem>>, vector<16xf32>,
      %broadcast_in_dim3A_173 = arith.constant 0 : i32
      %broadcast_in_dim3A_174 = vector.broadcast %broadcast_in_dim3A_173 : i32 to vector<16xi32>
      %swap3A_175 = arith.constant 336 : index
      %swap3A_176 = tpu.vector_load %arg9[%swap3A_175] {strides = array<i32>} : memref<384xi32, #tpu.memory_space<vmem>>, vector<16xi32>,
      tpu.vector_store %arg9[%swap3A_175], %broadcast_in_dim3A_174 {strides = array<i32>} : memref<384xi32, #tpu.memory_space<vmem>>, vector<16xi32>,
      %broadcast_in_dim3A_177 = arith.constant 0.000000e+00 : f32
      %broadcast_in_dim3A_178 = vector.broadcast %broadcast_in_dim3A_177 : f32 to vector<16xf32>
      %swap3A_179 = arith.constant 352 : index
      %swap3A_180 = tpu.vector_load %arg8[%swap3A_179] {strides = array<i32>} : memref<384xf32, #tpu.memory_space<vmem>>, vector<16xf32>,
      tpu.vector_store %arg8[%swap3A_179], %broadcast_in_dim3A_178 {strides = array<i32>} : memref<384xf32, #tpu.memory_space<vmem>>, vector<16xf32>,
      %broadcast_in_dim3A_181 = arith.constant 0 : i32
      %broadcast_in_dim3A_182 = vector.broadcast %broadcast_in_dim3A_181 : i32 to vector<16xi32>
      %swap3A_183 = arith.constant 352 : index
      %swap3A_184 = tpu.vector_load %arg9[%swap3A_183] {strides = array<i32>} : memref<384xi32, #tpu.memory_space<vmem>>, vector<16xi32>,
      tpu.vector_store %arg9[%swap3A_183], %broadcast_in_dim3A_182 {strides = array<i32>} : memref<384xi32, #tpu.memory_space<vmem>>, vector<16xi32>,
      %broadcast_in_dim3A_185 = arith.constant 0.000000e+00 : f32
      %broadcast_in_dim3A_186 = vector.broadcast %broadcast_in_dim3A_185 : f32 to vector<16xf32>
      %swap3A_187 = arith.constant 368 : index
      %swap3A_188 = tpu.vector_load %arg8[%swap3A_187] {strides = array<i32>} : memref<384xf32, #tpu.memory_space<vmem>>, vector<16xf32>,
      tpu.vector_store %arg8[%swap3A_187], %broadcast_in_dim3A_186 {strides = array<i32>} : memref<384xf32, #tpu.memory_space<vmem>>, vector<16xf32>,
      %broadcast_in_dim3A_189 = arith.constant 0 : i32
      %broadcast_in_dim3A_190 = vector.broadcast %broadcast_in_dim3A_189 : i32 to vector<16xi32>
      %swap3A_191 = arith.constant 368 : index
      %swap3A_192 = tpu.vector_load %arg9[%swap3A_191] {strides = array<i32>} : memref<384xi32, #tpu.memory_space<vmem>>, vector<16xi32>,
      tpu.vector_store %arg9[%swap3A_191], %broadcast_in_dim3A_190 {strides = array<i32>} : memref<384xi32, #tpu.memory_space<vmem>>, vector<16xi32>,
      %get3A = arith.constant 0 : index
      %get3A_193 = tpu.vector_load %arg6[%get3A] {strides = array<i32>} : memref<384xi32, #tpu.memory_space<vmem>>, vector<16xi32>,
      %get3A_194 = arith.constant 0 : index
      %get3A_195 = tpu.vector_load %arg7[%get3A_194] {strides = array<i32>} : memref<384xf32, #tpu.memory_space<vmem>>, vector<16xf32>,
      tpu.vector_store_idx %arg8[%get3A_193], %get3A_195 {add = true} : memref<384xf32, #tpu.memory_space<vmem>>[vector<16xi32>], vector<16xf32>,
      %broadcast_in_dim3A_196 = arith.constant 1 : i32
      %broadcast_in_dim3A_197 = vector.broadcast %broadcast_in_dim3A_196 : i32 to vector<16xi32>
      tpu.vector_store_idx %arg9[%get3A_193], %broadcast_in_dim3A_197 {add = true} : memref<384xi32, #tpu.memory_space<vmem>>[vector<16xi32>], vector<16xi32>,
      %get3A_198 = arith.constant 16 : index
      %get3A_199 = tpu.vector_load %arg6[%get3A_198] {strides = array<i32>} : memref<384xi32, #tpu.memory_space<vmem>>, vector<16xi32>,
      %get3A_200 = arith.constant 16 : index
      %get3A_201 = tpu.vector_load %arg7[%get3A_200] {strides = array<i32>} : memref<384xf32, #tpu.memory_space<vmem>>, vector<16xf32>,
      tpu.vector_store_idx %arg8[%get3A_199], %get3A_201 {add = true} : memref<384xf32, #tpu.memory_space<vmem>>[vector<16xi32>], vector<16xf32>,
      %broadcast_in_dim3A_202 = arith.constant 1 : i32
      %broadcast_in_dim3A_203 = vector.broadcast %broadcast_in_dim3A_202 : i32 to vector<16xi32>
      tpu.vector_store_idx %arg9[%get3A_199], %broadcast_in_dim3A_203 {add = true} : memref<384xi32, #tpu.memory_space<vmem>>[vector<16xi32>], vector<16xi32>,
      %get3A_204 = arith.constant 32 : index
      %get3A_205 = tpu.vector_load %arg6[%get3A_204] {strides = array<i32>} : memref<384xi32, #tpu.memory_space<vmem>>, vector<16xi32>,
      %get3A_206 = arith.constant 32 : index
      %get3A_207 = tpu.vector_load %arg7[%get3A_206] {strides = array<i32>} : memref<384xf32, #tpu.memory_space<vmem>>, vector<16xf32>,
      tpu.vector_store_idx %arg8[%get3A_205], %get3A_207 {add = true} : memref<384xf32, #tpu.memory_space<vmem>>[vector<16xi32>], vector<16xf32>,
      %broadcast_in_dim3A_208 = arith.constant 1 : i32
      %broadcast_in_dim3A_209 = vector.broadcast %broadcast_in_dim3A_208 : i32 to vector<16xi32>
      tpu.vector_store_idx %arg9[%get3A_205], %broadcast_in_dim3A_209 {add = true} : memref<384xi32, #tpu.memory_space<vmem>>[vector<16xi32>], vector<16xi32>,
      %get3A_210 = arith.constant 48 : index
      %get3A_211 = tpu.vector_load %arg6[%get3A_210] {strides = array<i32>} : memref<384xi32, #tpu.memory_space<vmem>>, vector<16xi32>,
      %get3A_212 = arith.constant 48 : index
      %get3A_213 = tpu.vector_load %arg7[%get3A_212] {strides = array<i32>} : memref<384xf32, #tpu.memory_space<vmem>>, vector<16xf32>,
      tpu.vector_store_idx %arg8[%get3A_211], %get3A_213 {add = true} : memref<384xf32, #tpu.memory_space<vmem>>[vector<16xi32>], vector<16xf32>,
      %broadcast_in_dim3A_214 = arith.constant 1 : i32
      %broadcast_in_dim3A_215 = vector.broadcast %broadcast_in_dim3A_214 : i32 to vector<16xi32>
      tpu.vector_store_idx %arg9[%get3A_211], %broadcast_in_dim3A_215 {add = true} : memref<384xi32, #tpu.memory_space<vmem>>[vector<16xi32>], vector<16xi32>,
      %get3A_216 = arith.constant 64 : index
      %get3A_217 = tpu.vector_load %arg6[%get3A_216] {strides = array<i32>} : memref<384xi32, #tpu.memory_space<vmem>>, vector<16xi32>,
      %get3A_218 = arith.constant 64 : index
      %get3A_219 = tpu.vector_load %arg7[%get3A_218] {strides = array<i32>} : memref<384xf32, #tpu.memory_space<vmem>>, vector<16xf32>,
      tpu.vector_store_idx %arg8[%get3A_217], %get3A_219 {add = true} : memref<384xf32, #tpu.memory_space<vmem>>[vector<16xi32>], vector<16xf32>,
      %broadcast_in_dim3A_220 = arith.constant 1 : i32
      %broadcast_in_dim3A_221 = vector.broadcast %broadcast_in_dim3A_220 : i32 to vector<16xi32>
      tpu.vector_store_idx %arg9[%get3A_217], %broadcast_in_dim3A_221 {add = true} : memref<384xi32, #tpu.memory_space<vmem>>[vector<16xi32>], vector<16xi32>,
      %get3A_222 = arith.constant 80 : index
      %get3A_223 = tpu.vector_load %arg6[%get3A_222] {strides = array<i32>} : memref<384xi32, #tpu.memory_space<vmem>>, vector<16xi32>,
      %get3A_224 = arith.constant 80 : index
      %get3A_225 = tpu.vector_load %arg7[%get3A_224] {strides = array<i32>} : memref<384xf32, #tpu.memory_space<vmem>>, vector<16xf32>,
      tpu.vector_store_idx %arg8[%get3A_223], %get3A_225 {add = true} : memref<384xf32, #tpu.memory_space<vmem>>[vector<16xi32>], vector<16xf32>,
      %broadcast_in_dim3A_226 = arith.constant 1 : i32
      %broadcast_in_dim3A_227 = vector.broadcast %broadcast_in_dim3A_226 : i32 to vector<16xi32>
      tpu.vector_store_idx %arg9[%get3A_223], %broadcast_in_dim3A_227 {add = true} : memref<384xi32, #tpu.memory_space<vmem>>[vector<16xi32>], vector<16xi32>,
      %get3A_228 = arith.constant 96 : index
      %get3A_229 = tpu.vector_load %arg6[%get3A_228] {strides = array<i32>} : memref<384xi32, #tpu.memory_space<vmem>>, vector<16xi32>,
      %get3A_230 = arith.constant 96 : index
      %get3A_231 = tpu.vector_load %arg7[%get3A_230] {strides = array<i32>} : memref<384xf32, #tpu.memory_space<vmem>>, vector<16xf32>,
      tpu.vector_store_idx %arg8[%get3A_229], %get3A_231 {add = true} : memref<384xf32, #tpu.memory_space<vmem>>[vector<16xi32>], vector<16xf32>,
      %broadcast_in_dim3A_232 = arith.constant 1 : i32
      %broadcast_in_dim3A_233 = vector.broadcast %broadcast_in_dim3A_232 : i32 to vector<16xi32>
      tpu.vector_store_idx %arg9[%get3A_229], %broadcast_in_dim3A_233 {add = true} : memref<384xi32, #tpu.memory_space<vmem>>[vector<16xi32>], vector<16xi32>,
      %get3A_234 = arith.constant 112 : index
      %get3A_235 = tpu.vector_load %arg6[%get3A_234] {strides = array<i32>} : memref<384xi32, #tpu.memory_space<vmem>>, vector<16xi32>,
      %get3A_236 = arith.constant 112 : index
      %get3A_237 = tpu.vector_load %arg7[%get3A_236] {strides = array<i32>} : memref<384xf32, #tpu.memory_space<vmem>>, vector<16xf32>,
      tpu.vector_store_idx %arg8[%get3A_235], %get3A_237 {add = true} : memref<384xf32, #tpu.memory_space<vmem>>[vector<16xi32>], vector<16xf32>,
      %broadcast_in_dim3A_238 = arith.constant 1 : i32
      %broadcast_in_dim3A_239 = vector.broadcast %broadcast_in_dim3A_238 : i32 to vector<16xi32>
      tpu.vector_store_idx %arg9[%get3A_235], %broadcast_in_dim3A_239 {add = true} : memref<384xi32, #tpu.memory_space<vmem>>[vector<16xi32>], vector<16xi32>,
      %get3A_240 = arith.constant 128 : index
      %get3A_241 = tpu.vector_load %arg6[%get3A_240] {strides = array<i32>} : memref<384xi32, #tpu.memory_space<vmem>>, vector<16xi32>,
      %get3A_242 = arith.constant 128 : index
      %get3A_243 = tpu.vector_load %arg7[%get3A_242] {strides = array<i32>} : memref<384xf32, #tpu.memory_space<vmem>>, vector<16xf32>,
      tpu.vector_store_idx %arg8[%get3A_241], %get3A_243 {add = true} : memref<384xf32, #tpu.memory_space<vmem>>[vector<16xi32>], vector<16xf32>,
      %broadcast_in_dim3A_244 = arith.constant 1 : i32
      %broadcast_in_dim3A_245 = vector.broadcast %broadcast_in_dim3A_244 : i32 to vector<16xi32>
      tpu.vector_store_idx %arg9[%get3A_241], %broadcast_in_dim3A_245 {add = true} : memref<384xi32, #tpu.memory_space<vmem>>[vector<16xi32>], vector<16xi32>,
      %get3A_246 = arith.constant 144 : index
      %get3A_247 = tpu.vector_load %arg6[%get3A_246] {strides = array<i32>} : memref<384xi32, #tpu.memory_space<vmem>>, vector<16xi32>,
      %get3A_248 = arith.constant 144 : index
      %get3A_249 = tpu.vector_load %arg7[%get3A_248] {strides = array<i32>} : memref<384xf32, #tpu.memory_space<vmem>>, vector<16xf32>,
      tpu.vector_store_idx %arg8[%get3A_247], %get3A_249 {add = true} : memref<384xf32, #tpu.memory_space<vmem>>[vector<16xi32>], vector<16xf32>,
      %broadcast_in_dim3A_250 = arith.constant 1 : i32
      %broadcast_in_dim3A_251 = vector.broadcast %broadcast_in_dim3A_250 : i32 to vector<16xi32>
      tpu.vector_store_idx %arg9[%get3A_247], %broadcast_in_dim3A_251 {add = true} : memref<384xi32, #tpu.memory_space<vmem>>[vector<16xi32>], vector<16xi32>,
      %get3A_252 = arith.constant 160 : index
      %get3A_253 = tpu.vector_load %arg6[%get3A_252] {strides = array<i32>} : memref<384xi32, #tpu.memory_space<vmem>>, vector<16xi32>,
      %get3A_254 = arith.constant 160 : index
      %get3A_255 = tpu.vector_load %arg7[%get3A_254] {strides = array<i32>} : memref<384xf32, #tpu.memory_space<vmem>>, vector<16xf32>,
      tpu.vector_store_idx %arg8[%get3A_253], %get3A_255 {add = true} : memref<384xf32, #tpu.memory_space<vmem>>[vector<16xi32>], vector<16xf32>,
      %broadcast_in_dim3A_256 = arith.constant 1 : i32
      %broadcast_in_dim3A_257 = vector.broadcast %broadcast_in_dim3A_256 : i32 to vector<16xi32>
      tpu.vector_store_idx %arg9[%get3A_253], %broadcast_in_dim3A_257 {add = true} : memref<384xi32, #tpu.memory_space<vmem>>[vector<16xi32>], vector<16xi32>,
      %get3A_258 = arith.constant 176 : index
      %get3A_259 = tpu.vector_load %arg6[%get3A_258] {strides = array<i32>} : memref<384xi32, #tpu.memory_space<vmem>>, vector<16xi32>,
      %get3A_260 = arith.constant 176 : index
      %get3A_261 = tpu.vector_load %arg7[%get3A_260] {strides = array<i32>} : memref<384xf32, #tpu.memory_space<vmem>>, vector<16xf32>,
      tpu.vector_store_idx %arg8[%get3A_259], %get3A_261 {add = true} : memref<384xf32, #tpu.memory_space<vmem>>[vector<16xi32>], vector<16xf32>,
      %broadcast_in_dim3A_262 = arith.constant 1 : i32
      %broadcast_in_dim3A_263 = vector.broadcast %broadcast_in_dim3A_262 : i32 to vector<16xi32>
      tpu.vector_store_idx %arg9[%get3A_259], %broadcast_in_dim3A_263 {add = true} : memref<384xi32, #tpu.memory_space<vmem>>[vector<16xi32>], vector<16xi32>,
      %get3A_264 = arith.constant 192 : index
      %get3A_265 = tpu.vector_load %arg6[%get3A_264] {strides = array<i32>} : memref<384xi32, #tpu.memory_space<vmem>>, vector<16xi32>,
      %get3A_266 = arith.constant 192 : index
      %get3A_267 = tpu.vector_load %arg7[%get3A_266] {strides = array<i32>} : memref<384xf32, #tpu.memory_space<vmem>>, vector<16xf32>,
      tpu.vector_store_idx %arg8[%get3A_265], %get3A_267 {add = true} : memref<384xf32, #tpu.memory_space<vmem>>[vector<16xi32>], vector<16xf32>,
      %broadcast_in_dim3A_268 = arith.constant 1 : i32
      %broadcast_in_dim3A_269 = vector.broadcast %broadcast_in_dim3A_268 : i32 to vector<16xi32>
      tpu.vector_store_idx %arg9[%get3A_265], %broadcast_in_dim3A_269 {add = true} : memref<384xi32, #tpu.memory_space<vmem>>[vector<16xi32>], vector<16xi32>,
      %get3A_270 = arith.constant 208 : index
      %get3A_271 = tpu.vector_load %arg6[%get3A_270] {strides = array<i32>} : memref<384xi32, #tpu.memory_space<vmem>>, vector<16xi32>,
      %get3A_272 = arith.constant 208 : index
      %get3A_273 = tpu.vector_load %arg7[%get3A_272] {strides = array<i32>} : memref<384xf32, #tpu.memory_space<vmem>>, vector<16xf32>,
      tpu.vector_store_idx %arg8[%get3A_271], %get3A_273 {add = true} : memref<384xf32, #tpu.memory_space<vmem>>[vector<16xi32>], vector<16xf32>,
      %broadcast_in_dim3A_274 = arith.constant 1 : i32
      %broadcast_in_dim3A_275 = vector.broadcast %broadcast_in_dim3A_274 : i32 to vector<16xi32>
      tpu.vector_store_idx %arg9[%get3A_271], %broadcast_in_dim3A_275 {add = true} : memref<384xi32, #tpu.memory_space<vmem>>[vector<16xi32>], vector<16xi32>,
      %get3A_276 = arith.constant 224 : index
      %get3A_277 = tpu.vector_load %arg6[%get3A_276] {strides = array<i32>} : memref<384xi32, #tpu.memory_space<vmem>>, vector<16xi32>,
      %get3A_278 = arith.constant 224 : index
      %get3A_279 = tpu.vector_load %arg7[%get3A_278] {strides = array<i32>} : memref<384xf32, #tpu.memory_space<vmem>>, vector<16xf32>,
      tpu.vector_store_idx %arg8[%get3A_277], %get3A_279 {add = true} : memref<384xf32, #tpu.memory_space<vmem>>[vector<16xi32>], vector<16xf32>,
      %broadcast_in_dim3A_280 = arith.constant 1 : i32
      %broadcast_in_dim3A_281 = vector.broadcast %broadcast_in_dim3A_280 : i32 to vector<16xi32>
      tpu.vector_store_idx %arg9[%get3A_277], %broadcast_in_dim3A_281 {add = true} : memref<384xi32, #tpu.memory_space<vmem>>[vector<16xi32>], vector<16xi32>,
      %get3A_282 = arith.constant 240 : index
      %get3A_283 = tpu.vector_load %arg6[%get3A_282] {strides = array<i32>} : memref<384xi32, #tpu.memory_space<vmem>>, vector<16xi32>,
      %get3A_284 = arith.constant 240 : index
      %get3A_285 = tpu.vector_load %arg7[%get3A_284] {strides = array<i32>} : memref<384xf32, #tpu.memory_space<vmem>>, vector<16xf32>,
      tpu.vector_store_idx %arg8[%get3A_283], %get3A_285 {add = true} : memref<384xf32, #tpu.memory_space<vmem>>[vector<16xi32>], vector<16xf32>,
      %broadcast_in_dim3A_286 = arith.constant 1 : i32
      %broadcast_in_dim3A_287 = vector.broadcast %broadcast_in_dim3A_286 : i32 to vector<16xi32>
      tpu.vector_store_idx %arg9[%get3A_283], %broadcast_in_dim3A_287 {add = true} : memref<384xi32, #tpu.memory_space<vmem>>[vector<16xi32>], vector<16xi32>,
      %get3A_288 = arith.constant 256 : index
      %get3A_289 = tpu.vector_load %arg6[%get3A_288] {strides = array<i32>} : memref<384xi32, #tpu.memory_space<vmem>>, vector<16xi32>,
      %get3A_290 = arith.constant 256 : index
      %get3A_291 = tpu.vector_load %arg7[%get3A_290] {strides = array<i32>} : memref<384xf32, #tpu.memory_space<vmem>>, vector<16xf32>,
      tpu.vector_store_idx %arg8[%get3A_289], %get3A_291 {add = true} : memref<384xf32, #tpu.memory_space<vmem>>[vector<16xi32>], vector<16xf32>,
      %broadcast_in_dim3A_292 = arith.constant 1 : i32
      %broadcast_in_dim3A_293 = vector.broadcast %broadcast_in_dim3A_292 : i32 to vector<16xi32>
      tpu.vector_store_idx %arg9[%get3A_289], %broadcast_in_dim3A_293 {add = true} : memref<384xi32, #tpu.memory_space<vmem>>[vector<16xi32>], vector<16xi32>,
      %get3A_294 = arith.constant 272 : index
      %get3A_295 = tpu.vector_load %arg6[%get3A_294] {strides = array<i32>} : memref<384xi32, #tpu.memory_space<vmem>>, vector<16xi32>,
      %get3A_296 = arith.constant 272 : index
      %get3A_297 = tpu.vector_load %arg7[%get3A_296] {strides = array<i32>} : memref<384xf32, #tpu.memory_space<vmem>>, vector<16xf32>,
      tpu.vector_store_idx %arg8[%get3A_295], %get3A_297 {add = true} : memref<384xf32, #tpu.memory_space<vmem>>[vector<16xi32>], vector<16xf32>,
      %broadcast_in_dim3A_298 = arith.constant 1 : i32
      %broadcast_in_dim3A_299 = vector.broadcast %broadcast_in_dim3A_298 : i32 to vector<16xi32>
      tpu.vector_store_idx %arg9[%get3A_295], %broadcast_in_dim3A_299 {add = true} : memref<384xi32, #tpu.memory_space<vmem>>[vector<16xi32>], vector<16xi32>,
      %get3A_300 = arith.constant 288 : index
      %get3A_301 = tpu.vector_load %arg6[%get3A_300] {strides = array<i32>} : memref<384xi32, #tpu.memory_space<vmem>>, vector<16xi32>,
      %get3A_302 = arith.constant 288 : index
      %get3A_303 = tpu.vector_load %arg7[%get3A_302] {strides = array<i32>} : memref<384xf32, #tpu.memory_space<vmem>>, vector<16xf32>,
      tpu.vector_store_idx %arg8[%get3A_301], %get3A_303 {add = true} : memref<384xf32, #tpu.memory_space<vmem>>[vector<16xi32>], vector<16xf32>,
      %broadcast_in_dim3A_304 = arith.constant 1 : i32
      %broadcast_in_dim3A_305 = vector.broadcast %broadcast_in_dim3A_304 : i32 to vector<16xi32>
      tpu.vector_store_idx %arg9[%get3A_301], %broadcast_in_dim3A_305 {add = true} : memref<384xi32, #tpu.memory_space<vmem>>[vector<16xi32>], vector<16xi32>,
      %get3A_306 = arith.constant 304 : index
      %get3A_307 = tpu.vector_load %arg6[%get3A_306] {strides = array<i32>} : memref<384xi32, #tpu.memory_space<vmem>>, vector<16xi32>,
      %get3A_308 = arith.constant 304 : index
      %get3A_309 = tpu.vector_load %arg7[%get3A_308] {strides = array<i32>} : memref<384xf32, #tpu.memory_space<vmem>>, vector<16xf32>,
      tpu.vector_store_idx %arg8[%get3A_307], %get3A_309 {add = true} : memref<384xf32, #tpu.memory_space<vmem>>[vector<16xi32>], vector<16xf32>,
      %broadcast_in_dim3A_310 = arith.constant 1 : i32
      %broadcast_in_dim3A_311 = vector.broadcast %broadcast_in_dim3A_310 : i32 to vector<16xi32>
      tpu.vector_store_idx %arg9[%get3A_307], %broadcast_in_dim3A_311 {add = true} : memref<384xi32, #tpu.memory_space<vmem>>[vector<16xi32>], vector<16xi32>,
      %get3A_312 = arith.constant 320 : index
      %get3A_313 = tpu.vector_load %arg6[%get3A_312] {strides = array<i32>} : memref<384xi32, #tpu.memory_space<vmem>>, vector<16xi32>,
      %get3A_314 = arith.constant 320 : index
      %get3A_315 = tpu.vector_load %arg7[%get3A_314] {strides = array<i32>} : memref<384xf32, #tpu.memory_space<vmem>>, vector<16xf32>,
      tpu.vector_store_idx %arg8[%get3A_313], %get3A_315 {add = true} : memref<384xf32, #tpu.memory_space<vmem>>[vector<16xi32>], vector<16xf32>,
      %broadcast_in_dim3A_316 = arith.constant 1 : i32
      %broadcast_in_dim3A_317 = vector.broadcast %broadcast_in_dim3A_316 : i32 to vector<16xi32>
      tpu.vector_store_idx %arg9[%get3A_313], %broadcast_in_dim3A_317 {add = true} : memref<384xi32, #tpu.memory_space<vmem>>[vector<16xi32>], vector<16xi32>,
      %get3A_318 = arith.constant 336 : index
      %get3A_319 = tpu.vector_load %arg6[%get3A_318] {strides = array<i32>} : memref<384xi32, #tpu.memory_space<vmem>>, vector<16xi32>,
      %get3A_320 = arith.constant 336 : index
      %get3A_321 = tpu.vector_load %arg7[%get3A_320] {strides = array<i32>} : memref<384xf32, #tpu.memory_space<vmem>>, vector<16xf32>,
      tpu.vector_store_idx %arg8[%get3A_319], %get3A_321 {add = true} : memref<384xf32, #tpu.memory_space<vmem>>[vector<16xi32>], vector<16xf32>,
      %broadcast_in_dim3A_322 = arith.constant 1 : i32
      %broadcast_in_dim3A_323 = vector.broadcast %broadcast_in_dim3A_322 : i32 to vector<16xi32>
      tpu.vector_store_idx %arg9[%get3A_319], %broadcast_in_dim3A_323 {add = true} : memref<384xi32, #tpu.memory_space<vmem>>[vector<16xi32>], vector<16xi32>,
      %get3A_324 = arith.constant 352 : index
      %get3A_325 = tpu.vector_load %arg6[%get3A_324] {strides = array<i32>} : memref<384xi32, #tpu.memory_space<vmem>>, vector<16xi32>,
      %get3A_326 = arith.constant 352 : index
      %get3A_327 = tpu.vector_load %arg7[%get3A_326] {strides = array<i32>} : memref<384xf32, #tpu.memory_space<vmem>>, vector<16xf32>,
      tpu.vector_store_idx %arg8[%get3A_325], %get3A_327 {add = true} : memref<384xf32, #tpu.memory_space<vmem>>[vector<16xi32>], vector<16xf32>,
      %broadcast_in_dim3A_328 = arith.constant 1 : i32
      %broadcast_in_dim3A_329 = vector.broadcast %broadcast_in_dim3A_328 : i32 to vector<16xi32>
      tpu.vector_store_idx %arg9[%get3A_325], %broadcast_in_dim3A_329 {add = true} : memref<384xi32, #tpu.memory_space<vmem>>[vector<16xi32>], vector<16xi32>,
      %get3A_330 = arith.constant 368 : index
      %get3A_331 = tpu.vector_load %arg6[%get3A_330] {strides = array<i32>} : memref<384xi32, #tpu.memory_space<vmem>>, vector<16xi32>,
      %get3A_332 = arith.constant 368 : index
      %get3A_333 = tpu.vector_load %arg7[%get3A_332] {strides = array<i32>} : memref<384xf32, #tpu.memory_space<vmem>>, vector<16xf32>,
      tpu.vector_store_idx %arg8[%get3A_331], %get3A_333 {add = true} : memref<384xf32, #tpu.memory_space<vmem>>[vector<16xi32>], vector<16xf32>,
      %broadcast_in_dim3A_334 = arith.constant 1 : i32
      %broadcast_in_dim3A_335 = vector.broadcast %broadcast_in_dim3A_334 : i32 to vector<16xi32>
      tpu.vector_store_idx %arg9[%get3A_331], %broadcast_in_dim3A_335 {add = true} : memref<384xi32, #tpu.memory_space<vmem>>[vector<16xi32>], vector<16xi32>,
      %broadcast_in_dim3A_336 = arith.constant 0 : i32
      %broadcast_in_dim3A_337 = vector.broadcast %broadcast_in_dim3A_336 : i32 to vector<16xi32>
      %get3A_338 = arith.constant 0 : index
      %get3A_339 = tpu.vector_load %arg9[%get3A_338] {strides = array<i32>} : memref<384xi32, #tpu.memory_space<vmem>>, vector<16xi32>,
      %gt3A = arith.constant 0 : i32
      %gt3A_340 = vector.broadcast %gt3A : i32 to vector<16xi32>
      %gt3A_341 = arith.cmpi sgt, %get3A_339, %gt3A_340 : vector<16xi32>
      %convert_element_type3A_342 = arith.extui %gt3A_341 : vector<16xi1> to vector<16xi32>
      %add3A_343 = arith.addi %broadcast_in_dim3A_337, %convert_element_type3A_342 : vector<16xi32>
      %get3A_344 = arith.constant 16 : index
      %get3A_345 = tpu.vector_load %arg9[%get3A_344] {strides = array<i32>} : memref<384xi32, #tpu.memory_space<vmem>>, vector<16xi32>,
      %gt3A_346 = arith.constant 0 : i32
      %gt3A_347 = vector.broadcast %gt3A_346 : i32 to vector<16xi32>
      %gt3A_348 = arith.cmpi sgt, %get3A_345, %gt3A_347 : vector<16xi32>
      %convert_element_type3A_349 = arith.extui %gt3A_348 : vector<16xi1> to vector<16xi32>
      %add3A_350 = arith.addi %add3A_343, %convert_element_type3A_349 : vector<16xi32>
      %get3A_351 = arith.constant 32 : index
      %get3A_352 = tpu.vector_load %arg9[%get3A_351] {strides = array<i32>} : memref<384xi32, #tpu.memory_space<vmem>>, vector<16xi32>,
      %gt3A_353 = arith.constant 0 : i32
      %gt3A_354 = vector.broadcast %gt3A_353 : i32 to vector<16xi32>
      %gt3A_355 = arith.cmpi sgt, %get3A_352, %gt3A_354 : vector<16xi32>
      %convert_element_type3A_356 = arith.extui %gt3A_355 : vector<16xi1> to vector<16xi32>
      %add3A_357 = arith.addi %add3A_350, %convert_element_type3A_356 : vector<16xi32>
      %get3A_358 = arith.constant 48 : index
      %get3A_359 = tpu.vector_load %arg9[%get3A_358] {strides = array<i32>} : memref<384xi32, #tpu.memory_space<vmem>>, vector<16xi32>,
      %gt3A_360 = arith.constant 0 : i32
      %gt3A_361 = vector.broadcast %gt3A_360 : i32 to vector<16xi32>
      %gt3A_362 = arith.cmpi sgt, %get3A_359, %gt3A_361 : vector<16xi32>
      %convert_element_type3A_363 = arith.extui %gt3A_362 : vector<16xi1> to vector<16xi32>
      %add3A_364 = arith.addi %add3A_357, %convert_element_type3A_363 : vector<16xi32>
      %get3A_365 = arith.constant 64 : index
      %get3A_366 = tpu.vector_load %arg9[%get3A_365] {strides = array<i32>} : memref<384xi32, #tpu.memory_space<vmem>>, vector<16xi32>,
      %gt3A_367 = arith.constant 0 : i32
      %gt3A_368 = vector.broadcast %gt3A_367 : i32 to vector<16xi32>
      %gt3A_369 = arith.cmpi sgt, %get3A_366, %gt3A_368 : vector<16xi32>
      %convert_element_type3A_370 = arith.extui %gt3A_369 : vector<16xi1> to vector<16xi32>
      %add3A_371 = arith.addi %add3A_364, %convert_element_type3A_370 : vector<16xi32>
      %get3A_372 = arith.constant 80 : index
      %get3A_373 = tpu.vector_load %arg9[%get3A_372] {strides = array<i32>} : memref<384xi32, #tpu.memory_space<vmem>>, vector<16xi32>,
      %gt3A_374 = arith.constant 0 : i32
      %gt3A_375 = vector.broadcast %gt3A_374 : i32 to vector<16xi32>
      %gt3A_376 = arith.cmpi sgt, %get3A_373, %gt3A_375 : vector<16xi32>
      %convert_element_type3A_377 = arith.extui %gt3A_376 : vector<16xi1> to vector<16xi32>
      %add3A_378 = arith.addi %add3A_371, %convert_element_type3A_377 : vector<16xi32>
      %get3A_379 = arith.constant 96 : index
      %get3A_380 = tpu.vector_load %arg9[%get3A_379] {strides = array<i32>} : memref<384xi32, #tpu.memory_space<vmem>>, vector<16xi32>,
      %gt3A_381 = arith.constant 0 : i32
      %gt3A_382 = vector.broadcast %gt3A_381 : i32 to vector<16xi32>
      %gt3A_383 = arith.cmpi sgt, %get3A_380, %gt3A_382 : vector<16xi32>
      %convert_element_type3A_384 = arith.extui %gt3A_383 : vector<16xi1> to vector<16xi32>
      %add3A_385 = arith.addi %add3A_378, %convert_element_type3A_384 : vector<16xi32>
      %get3A_386 = arith.constant 112 : index
      %get3A_387 = tpu.vector_load %arg9[%get3A_386] {strides = array<i32>} : memref<384xi32, #tpu.memory_space<vmem>>, vector<16xi32>,
      %gt3A_388 = arith.constant 0 : i32
      %gt3A_389 = vector.broadcast %gt3A_388 : i32 to vector<16xi32>
      %gt3A_390 = arith.cmpi sgt, %get3A_387, %gt3A_389 : vector<16xi32>
      %convert_element_type3A_391 = arith.extui %gt3A_390 : vector<16xi1> to vector<16xi32>
      %add3A_392 = arith.addi %add3A_385, %convert_element_type3A_391 : vector<16xi32>
      %get3A_393 = arith.constant 128 : index
      %get3A_394 = tpu.vector_load %arg9[%get3A_393] {strides = array<i32>} : memref<384xi32, #tpu.memory_space<vmem>>, vector<16xi32>,
      %gt3A_395 = arith.constant 0 : i32
      %gt3A_396 = vector.broadcast %gt3A_395 : i32 to vector<16xi32>
      %gt3A_397 = arith.cmpi sgt, %get3A_394, %gt3A_396 : vector<16xi32>
      %convert_element_type3A_398 = arith.extui %gt3A_397 : vector<16xi1> to vector<16xi32>
      %add3A_399 = arith.addi %add3A_392, %convert_element_type3A_398 : vector<16xi32>
      %get3A_400 = arith.constant 144 : index
      %get3A_401 = tpu.vector_load %arg9[%get3A_400] {strides = array<i32>} : memref<384xi32, #tpu.memory_space<vmem>>, vector<16xi32>,
      %gt3A_402 = arith.constant 0 : i32
      %gt3A_403 = vector.broadcast %gt3A_402 : i32 to vector<16xi32>
      %gt3A_404 = arith.cmpi sgt, %get3A_401, %gt3A_403 : vector<16xi32>
      %convert_element_type3A_405 = arith.extui %gt3A_404 : vector<16xi1> to vector<16xi32>
      %add3A_406 = arith.addi %add3A_399, %convert_element_type3A_405 : vector<16xi32>
      %get3A_407 = arith.constant 160 : index
      %get3A_408 = tpu.vector_load %arg9[%get3A_407] {strides = array<i32>} : memref<384xi32, #tpu.memory_space<vmem>>, vector<16xi32>,
      %gt3A_409 = arith.constant 0 : i32
      %gt3A_410 = vector.broadcast %gt3A_409 : i32 to vector<16xi32>
      %gt3A_411 = arith.cmpi sgt, %get3A_408, %gt3A_410 : vector<16xi32>
      %convert_element_type3A_412 = arith.extui %gt3A_411 : vector<16xi1> to vector<16xi32>
      %add3A_413 = arith.addi %add3A_406, %convert_element_type3A_412 : vector<16xi32>
      %get3A_414 = arith.constant 176 : index
      %get3A_415 = tpu.vector_load %arg9[%get3A_414] {strides = array<i32>} : memref<384xi32, #tpu.memory_space<vmem>>, vector<16xi32>,
      %gt3A_416 = arith.constant 0 : i32
      %gt3A_417 = vector.broadcast %gt3A_416 : i32 to vector<16xi32>
      %gt3A_418 = arith.cmpi sgt, %get3A_415, %gt3A_417 : vector<16xi32>
      %convert_element_type3A_419 = arith.extui %gt3A_418 : vector<16xi1> to vector<16xi32>
      %add3A_420 = arith.addi %add3A_413, %convert_element_type3A_419 : vector<16xi32>
      %get3A_421 = arith.constant 192 : index
      %get3A_422 = tpu.vector_load %arg9[%get3A_421] {strides = array<i32>} : memref<384xi32, #tpu.memory_space<vmem>>, vector<16xi32>,
      %gt3A_423 = arith.constant 0 : i32
      %gt3A_424 = vector.broadcast %gt3A_423 : i32 to vector<16xi32>
      %gt3A_425 = arith.cmpi sgt, %get3A_422, %gt3A_424 : vector<16xi32>
      %convert_element_type3A_426 = arith.extui %gt3A_425 : vector<16xi1> to vector<16xi32>
      %add3A_427 = arith.addi %add3A_420, %convert_element_type3A_426 : vector<16xi32>
      %get3A_428 = arith.constant 208 : index
      %get3A_429 = tpu.vector_load %arg9[%get3A_428] {strides = array<i32>} : memref<384xi32, #tpu.memory_space<vmem>>, vector<16xi32>,
      %gt3A_430 = arith.constant 0 : i32
      %gt3A_431 = vector.broadcast %gt3A_430 : i32 to vector<16xi32>
      %gt3A_432 = arith.cmpi sgt, %get3A_429, %gt3A_431 : vector<16xi32>
      %convert_element_type3A_433 = arith.extui %gt3A_432 : vector<16xi1> to vector<16xi32>
      %add3A_434 = arith.addi %add3A_427, %convert_element_type3A_433 : vector<16xi32>
      %get3A_435 = arith.constant 224 : index
      %get3A_436 = tpu.vector_load %arg9[%get3A_435] {strides = array<i32>} : memref<384xi32, #tpu.memory_space<vmem>>, vector<16xi32>,
      %gt3A_437 = arith.constant 0 : i32
      %gt3A_438 = vector.broadcast %gt3A_437 : i32 to vector<16xi32>
      %gt3A_439 = arith.cmpi sgt, %get3A_436, %gt3A_438 : vector<16xi32>
      %convert_element_type3A_440 = arith.extui %gt3A_439 : vector<16xi1> to vector<16xi32>
      %add3A_441 = arith.addi %add3A_434, %convert_element_type3A_440 : vector<16xi32>
      %get3A_442 = arith.constant 240 : index
      %get3A_443 = tpu.vector_load %arg9[%get3A_442] {strides = array<i32>} : memref<384xi32, #tpu.memory_space<vmem>>, vector<16xi32>,
      %gt3A_444 = arith.constant 0 : i32
      %gt3A_445 = vector.broadcast %gt3A_444 : i32 to vector<16xi32>
      %gt3A_446 = arith.cmpi sgt, %get3A_443, %gt3A_445 : vector<16xi32>
      %convert_element_type3A_447 = arith.extui %gt3A_446 : vector<16xi1> to vector<16xi32>
      %add3A_448 = arith.addi %add3A_441, %convert_element_type3A_447 : vector<16xi32>
      %get3A_449 = arith.constant 256 : index
      %get3A_450 = tpu.vector_load %arg9[%get3A_449] {strides = array<i32>} : memref<384xi32, #tpu.memory_space<vmem>>, vector<16xi32>,
      %gt3A_451 = arith.constant 0 : i32
      %gt3A_452 = vector.broadcast %gt3A_451 : i32 to vector<16xi32>
      %gt3A_453 = arith.cmpi sgt, %get3A_450, %gt3A_452 : vector<16xi32>
      %convert_element_type3A_454 = arith.extui %gt3A_453 : vector<16xi1> to vector<16xi32>
      %add3A_455 = arith.addi %add3A_448, %convert_element_type3A_454 : vector<16xi32>
      %get3A_456 = arith.constant 272 : index
      %get3A_457 = tpu.vector_load %arg9[%get3A_456] {strides = array<i32>} : memref<384xi32, #tpu.memory_space<vmem>>, vector<16xi32>,
      %gt3A_458 = arith.constant 0 : i32
      %gt3A_459 = vector.broadcast %gt3A_458 : i32 to vector<16xi32>
      %gt3A_460 = arith.cmpi sgt, %get3A_457, %gt3A_459 : vector<16xi32>
      %convert_element_type3A_461 = arith.extui %gt3A_460 : vector<16xi1> to vector<16xi32>
      %add3A_462 = arith.addi %add3A_455, %convert_element_type3A_461 : vector<16xi32>
      %get3A_463 = arith.constant 288 : index
      %get3A_464 = tpu.vector_load %arg9[%get3A_463] {strides = array<i32>} : memref<384xi32, #tpu.memory_space<vmem>>, vector<16xi32>,
      %gt3A_465 = arith.constant 0 : i32
      %gt3A_466 = vector.broadcast %gt3A_465 : i32 to vector<16xi32>
      %gt3A_467 = arith.cmpi sgt, %get3A_464, %gt3A_466 : vector<16xi32>
      %convert_element_type3A_468 = arith.extui %gt3A_467 : vector<16xi1> to vector<16xi32>
      %add3A_469 = arith.addi %add3A_462, %convert_element_type3A_468 : vector<16xi32>
      %get3A_470 = arith.constant 304 : index
      %get3A_471 = tpu.vector_load %arg9[%get3A_470] {strides = array<i32>} : memref<384xi32, #tpu.memory_space<vmem>>, vector<16xi32>,
      %gt3A_472 = arith.constant 0 : i32
      %gt3A_473 = vector.broadcast %gt3A_472 : i32 to vector<16xi32>
      %gt3A_474 = arith.cmpi sgt, %get3A_471, %gt3A_473 : vector<16xi32>
      %convert_element_type3A_475 = arith.extui %gt3A_474 : vector<16xi1> to vector<16xi32>
      %add3A_476 = arith.addi %add3A_469, %convert_element_type3A_475 : vector<16xi32>
      %get3A_477 = arith.constant 320 : index
      %get3A_478 = tpu.vector_load %arg9[%get3A_477] {strides = array<i32>} : memref<384xi32, #tpu.memory_space<vmem>>, vector<16xi32>,
      %gt3A_479 = arith.constant 0 : i32
      %gt3A_480 = vector.broadcast %gt3A_479 : i32 to vector<16xi32>
      %gt3A_481 = arith.cmpi sgt, %get3A_478, %gt3A_480 : vector<16xi32>
      %convert_element_type3A_482 = arith.extui %gt3A_481 : vector<16xi1> to vector<16xi32>
      %add3A_483 = arith.addi %add3A_476, %convert_element_type3A_482 : vector<16xi32>
      %get3A_484 = arith.constant 336 : index
      %get3A_485 = tpu.vector_load %arg9[%get3A_484] {strides = array<i32>} : memref<384xi32, #tpu.memory_space<vmem>>, vector<16xi32>,
      %gt3A_486 = arith.constant 0 : i32
      %gt3A_487 = vector.broadcast %gt3A_486 : i32 to vector<16xi32>
      %gt3A_488 = arith.cmpi sgt, %get3A_485, %gt3A_487 : vector<16xi32>
      %convert_element_type3A_489 = arith.extui %gt3A_488 : vector<16xi1> to vector<16xi32>
      %add3A_490 = arith.addi %add3A_483, %convert_element_type3A_489 : vector<16xi32>
      %get3A_491 = arith.constant 352 : index
      %get3A_492 = tpu.vector_load %arg9[%get3A_491] {strides = array<i32>} : memref<384xi32, #tpu.memory_space<vmem>>, vector<16xi32>,
      %gt3A_493 = arith.constant 0 : i32
      %gt3A_494 = vector.broadcast %gt3A_493 : i32 to vector<16xi32>
      %gt3A_495 = arith.cmpi sgt, %get3A_492, %gt3A_494 : vector<16xi32>
      %convert_element_type3A_496 = arith.extui %gt3A_495 : vector<16xi1> to vector<16xi32>
      %add3A_497 = arith.addi %add3A_490, %convert_element_type3A_496 : vector<16xi32>
      %get3A_498 = arith.constant 368 : index
      %get3A_499 = tpu.vector_load %arg9[%get3A_498] {strides = array<i32>} : memref<384xi32, #tpu.memory_space<vmem>>, vector<16xi32>,
      %gt3A_500 = arith.constant 0 : i32
      %gt3A_501 = vector.broadcast %gt3A_500 : i32 to vector<16xi32>
      %gt3A_502 = arith.cmpi sgt, %get3A_499, %gt3A_501 : vector<16xi32>
      %convert_element_type3A_503 = arith.extui %gt3A_502 : vector<16xi1> to vector<16xi32>
      %add3A_504 = arith.addi %add3A_497, %convert_element_type3A_503 : vector<16xi32>
      %reduce_sum3A = arith.constant true
      %reduce_sum3A_505 = vector.broadcast %reduce_sum3A : i1 to vector<16xi1>
      %reduce_sum3A_506 = tpu.scan <sum>, %add3A_504 masked %reduce_sum3A_505 : vector<16xi32>, vector<16xi1> -> vector<16xi32>
      %reduce_sum3A_507 = vector.extract %reduce_sum3A_506[15] : i32 from vector<16xi32>
      %broadcast_in_dim3A_508 = vector.broadcast %reduce_sum3A_507 : i32 to vector<16xi32>
      %swap3A_509 = arith.constant 0 : index
      %swap3A_510 = tpu.vector_load %arg10[%swap3A_509] {strides = array<i32>} : memref<16xi32, #tpu.memory_space<vmem>>, vector<16xi32>,
      tpu.vector_store %arg10[%swap3A_509], %broadcast_in_dim3A_508 {strides = array<i32>} : memref<16xi32, #tpu.memory_space<vmem>>, vector<16xi32>,
      "tpu.region"() ({
        %run_scoped3A = tpu.sem_alloc : memref<!tpu.dma_semaphore, #tpu.memory_space<semaphore_mem>>
        %dma_start3A = arith.constant 0 : i32
        %dma_start3A_511 = tpu.memref_slice %arg4[%add3A, %dma_start3A] : memref<4x384xf32, #tpu.memory_space<hbm>> -> memref<1x384xf32, #tpu.memory_space<hbm>>
        %dma_start3A_512 = tpu.memref_squeeze %dma_start3A_511 : memref<1x384xf32, #tpu.memory_space<hbm>> -> memref<384xf32, #tpu.memory_space<hbm>>
        %dma_start3A_513 = arith.constant 0 : i32
        %dma_start3A_514 = tpu.memref_slice %arg4[%add3A, %dma_start3A_513] : memref<4x384xf32, #tpu.memory_space<hbm>> -> memref<1x384xf32, #tpu.memory_space<hbm>>
        %dma_start3A_515 = tpu.memref_squeeze %dma_start3A_514 : memref<1x384xf32, #tpu.memory_space<hbm>> -> memref<384xf32, #tpu.memory_space<hbm>>
        tpu.enqueue_dma source(%arg8 : memref<384xf32, #tpu.memory_space<vmem>>) target(%dma_start3A_515 : memref<384xf32, #tpu.memory_space<hbm>>) target_semaphore(%run_scoped3A : memref<!tpu.dma_semaphore, #tpu.memory_space<semaphore_mem>>)
        %dma_wait3A = arith.constant 0 : i32
        %dma_wait3A_516 = tpu.memref_slice %arg4[%add3A, %dma_wait3A] : memref<4x384xf32, #tpu.memory_space<hbm>> -> memref<1x384xf32, #tpu.memory_space<hbm>>
        %dma_wait3A_517 = tpu.memref_squeeze %dma_wait3A_516 : memref<1x384xf32, #tpu.memory_space<hbm>> -> memref<384xf32, #tpu.memory_space<hbm>>
        %dma_wait3A_518 = arith.constant 0 : i32
        %dma_wait3A_519 = tpu.memref_slice %arg4[%add3A, %dma_wait3A_518] : memref<4x384xf32, #tpu.memory_space<hbm>> -> memref<1x384xf32, #tpu.memory_space<hbm>>
        %dma_wait3A_520 = tpu.memref_squeeze %dma_wait3A_519 : memref<1x384xf32, #tpu.memory_space<hbm>> -> memref<384xf32, #tpu.memory_space<hbm>>
        tpu.wait_dma2 semaphore(%run_scoped3A : memref<!tpu.dma_semaphore, #tpu.memory_space<semaphore_mem>>) src(%arg8 : memref<384xf32, #tpu.memory_space<vmem>>) dst(%dma_wait3A_520 : memref<384xf32, #tpu.memory_space<hbm>>)
        tpu.yield
      }) : () -> ()
      "tpu.region"() ({
        %run_scoped3A = tpu.sem_alloc : memref<!tpu.dma_semaphore, #tpu.memory_space<semaphore_mem>>
        %dma_start3A = arith.constant 0 : i32
        %dma_start3A_511 = tpu.memref_slice %arg5[%add3A, %dma_start3A] : memref<4x16xi32, #tpu.memory_space<hbm>> -> memref<1x16xi32, #tpu.memory_space<hbm>>
        %dma_start3A_512 = tpu.memref_squeeze %dma_start3A_511 : memref<1x16xi32, #tpu.memory_space<hbm>> -> memref<16xi32, #tpu.memory_space<hbm>>
        %dma_start3A_513 = arith.constant 0 : i32
        %dma_start3A_514 = tpu.memref_slice %arg5[%add3A, %dma_start3A_513] : memref<4x16xi32, #tpu.memory_space<hbm>> -> memref<1x16xi32, #tpu.memory_space<hbm>>
        %dma_start3A_515 = tpu.memref_squeeze %dma_start3A_514 : memref<1x16xi32, #tpu.memory_space<hbm>> -> memref<16xi32, #tpu.memory_space<hbm>>
        tpu.enqueue_dma source(%arg10 : memref<16xi32, #tpu.memory_space<vmem>>) target(%dma_start3A_515 : memref<16xi32, #tpu.memory_space<hbm>>) target_semaphore(%run_scoped3A : memref<!tpu.dma_semaphore, #tpu.memory_space<semaphore_mem>>)
        %dma_wait3A = arith.constant 0 : i32
        %dma_wait3A_516 = tpu.memref_slice %arg5[%add3A, %dma_wait3A] : memref<4x16xi32, #tpu.memory_space<hbm>> -> memref<1x16xi32, #tpu.memory_space<hbm>>
        %dma_wait3A_517 = tpu.memref_squeeze %dma_wait3A_516 : memref<1x16xi32, #tpu.memory_space<hbm>> -> memref<16xi32, #tpu.memory_space<hbm>>
        %dma_wait3A_518 = arith.constant 0 : i32
        %dma_wait3A_519 = tpu.memref_slice %arg5[%add3A, %dma_wait3A_518] : memref<4x16xi32, #tpu.memory_space<hbm>> -> memref<1x16xi32, #tpu.memory_space<hbm>>
        %dma_wait3A_520 = tpu.memref_squeeze %dma_wait3A_519 : memref<1x16xi32, #tpu.memory_space<hbm>> -> memref<16xi32, #tpu.memory_space<hbm>>
        tpu.wait_dma2 semaphore(%run_scoped3A : memref<!tpu.dma_semaphore, #tpu.memory_space<semaphore_mem>>) src(%arg10 : memref<16xi32, #tpu.memory_space<vmem>>) dst(%dma_wait3A_520 : memref<16xi32, #tpu.memory_space<hbm>>)
        tpu.yield
      }) : () -> ()
    } else {
    }
    return
  }
}

module attributes {stable_mosaic.version = 14 : i64} {
  func.func @_sim_kernel(%arg0: i32, %arg1: memref<1x384x1024xf32, #tpu.memory_space<vmem>>, %arg2: memref<1x384x256xf32, #tpu.memory_space<vmem>>, %arg3: memref<256x1024xf32, #tpu.memory_space<vmem>>, %arg4: memref<1x1x384xf32, #tpu.memory_space<vmem>>, %arg5: memref<1x1x384xi32, #tpu.memory_space<vmem>>) attributes {dimension_semantics = [#tpu.dimension_semantics<arbitrary>], iteration_bounds = array<i64: 4>, scalar_prefetch = 0 : i64, scratch_operands = 0 : i64, tpu.core_type = #tpu.core_type<tc>, window_params = [{transform_indices = @transform_0, window_bounds = array<i64: 1, 384, 1024>}, {transform_indices = @transform_1, window_bounds = array<i64: 1, 384, 256>}, {pipeline_mode = #tpu.pipeline_mode<synchronous>, transform_indices = @transform_2, window_bounds = array<i64: 256, 1024>}, {transform_indices = @transform_3, window_bounds = array<i64: 1, 1, 384>}, {transform_indices = @transform_4, window_bounds = array<i64: 1, 1, 384>}]} {
    %iota3A = tpu.iota {dimensions = array<i32: 1>} : vector<384x384xi32>
    %get3A = arith.constant 0 : index
    %get3A_0 = arith.constant 0 : index
    %get3A_1 = arith.constant 0 : index
    %get3A_2 = vector.load %arg1[%get3A, %get3A_0, %get3A_1] : memref<1x384x1024xf32, #tpu.memory_space<vmem>>, vector<1x384x1024xf32>
    %get3A_3 = vector.shape_cast %get3A_2 : vector<1x384x1024xf32> to vector<384x1024xf32>
    %get3A_4 = arith.constant 0 : index
    %get3A_5 = arith.constant 0 : index
    %get3A_6 = arith.constant 0 : index
    %get3A_7 = vector.load %arg2[%get3A_4, %get3A_5, %get3A_6] : memref<1x384x256xf32, #tpu.memory_space<vmem>>, vector<1x384x256xf32>
    %get3A_8 = vector.shape_cast %get3A_7 : vector<1x384x256xf32> to vector<384x256xf32>
    %reduce_sum3A = arith.constant dense<0.000000e+00> : vector<384xf32>
    %reduce_sum3A_9 = vector.multi_reduction <add>, %get3A_3, %reduce_sum3A [1] : vector<384x1024xf32> to vector<384xf32>
    %broadcast_in_dim3A = vector.shape_cast %reduce_sum3A_9 : vector<384xf32> to vector<384x1xf32>
    %div3A = arith.constant 1.024000e+03 : f32
    %div3A_10 = vector.broadcast %div3A : f32 to vector<384x1xf32>
    %div3A_11 = arith.divf %broadcast_in_dim3A, %div3A_10 : vector<384x1xf32>
    %sub3A = vector.broadcast %div3A_11 : vector<384x1xf32> to vector<384x1024xf32>
    %sub3A_12 = arith.subf %get3A_3, %sub3A : vector<384x1024xf32>
    %mul3A = arith.mulf %sub3A_12, %sub3A_12 : vector<384x1024xf32>
    %reduce_sum3A_13 = arith.constant dense<0.000000e+00> : vector<384xf32>
    %reduce_sum3A_14 = vector.multi_reduction <add>, %mul3A, %reduce_sum3A_13 [1] : vector<384x1024xf32> to vector<384xf32>
    %broadcast_in_dim3A_15 = vector.shape_cast %reduce_sum3A_14 : vector<384xf32> to vector<384x1xf32>
    %sqrt3A = math.sqrt %broadcast_in_dim3A_15 : vector<384x1xf32>
    %get3A_16 = arith.constant 0 : index
    %get3A_17 = arith.constant 0 : index
    %get3A_18 = vector.load %arg3[%get3A_16, %get3A_17] : memref<256x1024xf32, #tpu.memory_space<vmem>>, vector<256x1024xf32>
    %dot_general3A = arith.constant dense<0.000000e+00> : vector<384x1024xf32>
    %dot_general3A_19 = tpu.matmul %get3A_8, %get3A_18, %dot_general3A {dimension_numbers = #tpu.dot_dimension_numbers<[1], [0], [0], [1], [0, 0, 1, 1], [], []>, transpose_lhs_hint = false} : vector<384x256xf32>, vector<256x1024xf32>, vector<384x1024xf32> -> vector<384x1024xf32>
    %reduce_sum3A_20 = arith.constant dense<0.000000e+00> : vector<384xf32>
    %reduce_sum3A_21 = vector.multi_reduction <add>, %dot_general3A_19, %reduce_sum3A_20 [1] : vector<384x1024xf32> to vector<384xf32>
    %broadcast_in_dim3A_22 = vector.shape_cast %reduce_sum3A_21 : vector<384xf32> to vector<384x1xf32>
    %div3A_23 = arith.constant 1.024000e+03 : f32
    %div3A_24 = vector.broadcast %div3A_23 : f32 to vector<384x1xf32>
    %div3A_25 = arith.divf %broadcast_in_dim3A_22, %div3A_24 : vector<384x1xf32>
    %mul3A_26 = arith.mulf %dot_general3A_19, %dot_general3A_19 : vector<384x1024xf32>
    %reduce_sum3A_27 = arith.constant dense<0.000000e+00> : vector<384xf32>
    %reduce_sum3A_28 = vector.multi_reduction <add>, %mul3A_26, %reduce_sum3A_27 [1] : vector<384x1024xf32> to vector<384xf32>
    %broadcast_in_dim3A_29 = vector.shape_cast %reduce_sum3A_28 : vector<384xf32> to vector<384x1xf32>
    %mul3A_30 = arith.constant 1.024000e+03 : f32
    %mul3A_31 = vector.broadcast %mul3A_30 : f32 to vector<384x1xf32>
    %mul3A_32 = arith.mulf %mul3A_31, %div3A_25 : vector<384x1xf32>
    %mul3A_33 = arith.mulf %mul3A_32, %div3A_25 : vector<384x1xf32>
    %sub3A_34 = arith.subf %broadcast_in_dim3A_29, %mul3A_33 : vector<384x1xf32>
    %sqrt3A_35 = math.sqrt %sub3A_34 : vector<384x1xf32>
    %mul3A_36 = arith.mulf %sqrt3A_35, %sqrt3A : vector<384x1xf32>
    %mul3A_37 = arith.constant 0.00999999977 : f32
    %mul3A_38 = vector.broadcast %mul3A_37 : f32 to vector<384x1xf32>
    %mul3A_39 = arith.mulf %mul3A_36, %mul3A_38 : vector<384x1xf32>
    %dot_general3A_40 = arith.constant dense<0.000000e+00> : vector<384x384xf32>
    %dot_general3A_41 = tpu.matmul %dot_general3A_19, %sub3A_12, %dot_general3A_40 {dimension_numbers = #tpu.dot_dimension_numbers<[1], [1], [0], [0], [0, 0, 1, 0], [], []>, transpose_lhs_hint = false} : vector<384x1024xf32>, vector<384x1024xf32>, vector<384x384xf32> -> vector<384x384xf32>
    %div3A_42 = vector.broadcast %mul3A_39 : vector<384x1xf32> to vector<384x384xf32>
    %div3A_43 = arith.divf %dot_general3A_41, %div3A_42 : vector<384x384xf32>
    %reduce_max3A = arith.constant dense<0xFF800000> : vector<384xf32>
    %reduce_max3A_44 = vector.multi_reduction <maximumf>, %div3A_43, %reduce_max3A [1] : vector<384x384xf32> to vector<384xf32>
    %broadcast_in_dim3A_45 = vector.shape_cast %reduce_max3A_44 : vector<384xf32> to vector<384x1xf32>
    %eq3A = vector.broadcast %broadcast_in_dim3A_45 : vector<384x1xf32> to vector<384x384xf32>
    %eq3A_46 = arith.cmpf oeq, %div3A_43, %eq3A : vector<384x384xf32>
    %jit3A = arith.constant 384 : i32
    %broadcast_in_dim3A_47 = vector.broadcast %jit3A : i32 to vector<384x384xi32>
    %select_n3A = arith.select %eq3A_46, %iota3A, %broadcast_in_dim3A_47 : vector<384x384xi1>, vector<384x384xi32>
    %reduce_min3A = arith.constant dense<2147483647> : vector<384xi32>
    %reduce_min3A_48 = vector.multi_reduction <minsi>, %select_n3A, %reduce_min3A [1] : vector<384x384xi32> to vector<384xi32>
    %broadcast_in_dim3A_49 = vector.shape_cast %reduce_min3A_48 : vector<384xi32> to vector<384x1xi32>
    %reduce_max3A_50 = vector.shape_cast %broadcast_in_dim3A_45 : vector<384x1xf32> to vector<1x384x1xf32>
    %reduce_max3A_51 = arith.constant dense<0xFF800000> : vector<1xf32>
    %reduce_max3A_52 = vector.multi_reduction <maximumf>, %reduce_max3A_50, %reduce_max3A_51 [1, 2] : vector<1x384x1xf32> to vector<1xf32>
    %reduce_max3A_53 = vector.shape_cast %reduce_max3A_52 : vector<1xf32> to vector<1x1x1xf32>
    %reduce_max3A_54 = vector.extract %reduce_max3A_53[0, 0, 0] : f32 from vector<1x1x1xf32>
    %sub3A_55 = vector.broadcast %reduce_max3A_54 : f32 to vector<384x1xf32>
    %sub3A_56 = arith.subf %broadcast_in_dim3A_45, %sub3A_55 : vector<384x1xf32>
    %exp3A = math.exp %sub3A_56 : vector<384x1xf32>
    %reduce_sum3A_57 = vector.shape_cast %exp3A : vector<384x1xf32> to vector<1x384x1xf32>
    %reduce_sum3A_58 = arith.constant dense<0.000000e+00> : vector<1xf32>
    %reduce_sum3A_59 = vector.multi_reduction <add>, %reduce_sum3A_57, %reduce_sum3A_58 [1, 2] : vector<1x384x1xf32> to vector<1xf32>
    %reduce_sum3A_60 = vector.shape_cast %reduce_sum3A_59 : vector<1xf32> to vector<1x1x1xf32>
    %reduce_sum3A_61 = vector.extract %reduce_sum3A_60[0, 0, 0] : f32 from vector<1x1x1xf32>
    %div3A_62 = vector.broadcast %reduce_sum3A_61 : f32 to vector<384x1xf32>
    %div3A_63 = arith.divf %exp3A, %div3A_62 : vector<384x1xf32>
    %transpose3A = tpu.transpose %div3A_63, [1, 0] : vector<384x1xf32> -> vector<1x384xf32>
    %swap3A = arith.constant 0 : index
    %swap3A_64 = arith.constant 0 : index
    %swap3A_65 = arith.constant 0 : index
    %swap3A_66 = vector.load %arg4[%swap3A, %swap3A_64, %swap3A_65] : memref<1x1x384xf32, #tpu.memory_space<vmem>>, vector<1x1x384xf32>
    %swap3A_67 = vector.shape_cast %swap3A_66 : vector<1x1x384xf32> to vector<1x384xf32>
    %swap3A_68 = vector.shape_cast %transpose3A : vector<1x384xf32> to vector<1x1x384xf32>
    tpu.vector_store %arg4[%swap3A, %swap3A_64, %swap3A_65], %swap3A_68 {strides = array<i32>} : memref<1x1x384xf32, #tpu.memory_space<vmem>>, vector<1x1x384xf32>,
    %transpose3A_69 = tpu.transpose %broadcast_in_dim3A_49, [1, 0] : vector<384x1xi32> -> vector<1x384xi32>
    %swap3A_70 = arith.constant 0 : index
    %swap3A_71 = arith.constant 0 : index
    %swap3A_72 = arith.constant 0 : index
    %swap3A_73 = vector.load %arg5[%swap3A_70, %swap3A_71, %swap3A_72] : memref<1x1x384xi32, #tpu.memory_space<vmem>>, vector<1x1x384xi32>
    %swap3A_74 = vector.shape_cast %swap3A_73 : vector<1x1x384xi32> to vector<1x384xi32>
    %swap3A_75 = vector.shape_cast %transpose3A_69 : vector<1x384xi32> to vector<1x1x384xi32>
    tpu.vector_store %arg5[%swap3A_70, %swap3A_71, %swap3A_72], %swap3A_75 {strides = array<i32>} : memref<1x1x384xi32, #tpu.memory_space<vmem>>, vector<1x1x384xi32>,
    return
  }
  func.func @transform_0(%arg0: i32) -> (i32, i32, i32) {
    %c0_i32 = arith.constant 0 : i32
    %c0_i32_0 = arith.constant 0 : i32
    %c0_i32_1 = arith.constant 0 : i32
    return %arg0, %c0_i32, %c0_i32_0 : i32, i32, i32
  }
  func.func @transform_1(%arg0: i32) -> (i32, i32, i32) {
    %c0_i32 = arith.constant 0 : i32
    %c0_i32_0 = arith.constant 0 : i32
    %c0_i32_1 = arith.constant 0 : i32
    return %arg0, %c0_i32, %c0_i32_0 : i32, i32, i32
  }
  func.func @transform_2(%arg0: i32) -> (i32, i32) {
    %c0_i32 = arith.constant 0 : i32
    %c0_i32_0 = arith.constant 0 : i32
    %c0_i32_1 = arith.constant 0 : i32
    return %c0_i32, %c0_i32_0 : i32, i32
  }
  func.func @transform_3(%arg0: i32) -> (i32, i32, i32) {
    %c0_i32 = arith.constant 0 : i32
    %c0_i32_0 = arith.constant 0 : i32
    %c0_i32_1 = arith.constant 0 : i32
    return %arg0, %c0_i32, %c0_i32_0 : i32, i32, i32
  }
  func.func @transform_4(%arg0: i32) -> (i32, i32, i32) {
    %c0_i32 = arith.constant 0 : i32
    %c0_i32_0 = arith.constant 0 : i32
    %c0_i32_1 = arith.constant 0 : i32
    return %arg0, %c0_i32, %c0_i32_0 : i32, i32, i32
  }
}

module attributes {stable_mosaic.version = 14 : i64} {
  func.func @_sel_kernel(%arg0: i32, %arg1: memref<1x384x1024xf32, #tpu.memory_space<vmem>>, %arg2: memref<1x1x384xf32, #tpu.memory_space<vmem>>, %arg3: memref<4x1x16xi32, #tpu.memory_space<vmem>>, %arg4: memref<1x384x1024xf32, #tpu.memory_space<vmem>>) attributes {dimension_semantics = [#tpu.dimension_semantics<arbitrary>], iteration_bounds = array<i64: 4>, scalar_prefetch = 0 : i64, scratch_operands = 0 : i64, tpu.core_type = #tpu.core_type<tc>, window_params = [{transform_indices = @transform_0, window_bounds = array<i64: 1, 384, 1024>}, {transform_indices = @transform_1, window_bounds = array<i64: 1, 1, 384>}, {pipeline_mode = #tpu.pipeline_mode<synchronous>, transform_indices = @transform_2, window_bounds = array<i64: 4, 1, 16>}, {transform_indices = @transform_3, window_bounds = array<i64: 1, 384, 1024>}]} {
    %iota3A = tpu.iota {dimensions = array<i32: 0>} : vector<384x384xi32>
    %iota3A_0 = tpu.iota {dimensions = array<i32: 1>} : vector<384x384xi32>
    %get3A = arith.constant 0 : index
    %get3A_1 = arith.constant 0 : index
    %get3A_2 = arith.constant 0 : index
    %get3A_3 = vector.load %arg3[%get3A, %get3A_1, %get3A_2] : memref<4x1x16xi32, #tpu.memory_space<vmem>>, vector<4x1x16xi32>
    %reduce_min3A = vector.shape_cast %get3A_3 : vector<4x1x16xi32> to vector<1x4x1x16xi32>
    %reduce_min3A_4 = arith.constant dense<2147483647> : vector<1xi32>
    %reduce_min3A_5 = vector.multi_reduction <minsi>, %reduce_min3A, %reduce_min3A_4 [1, 2, 3] : vector<1x4x1x16xi32> to vector<1xi32>
    %reduce_min3A_6 = vector.shape_cast %reduce_min3A_5 : vector<1xi32> to vector<1x1x1x1xi32>
    %reduce_min3A_7 = vector.extract %reduce_min3A_6[0, 0, 0, 0] : i32 from vector<1x1x1x1xi32>
    %add3A = arith.constant 1 : i32
    %add3A_8 = arith.addi %reduce_min3A_7, %add3A : i32
    %jit3A = arith.constant 2 : i32
    %div3A = arith.divsi %add3A_8, %jit3A : i32
    %sign3A = arith.constant 0 : i32
    %sign3A_9 = arith.cmpi sgt, %add3A_8, %sign3A : i32
    %sign3A_10 = arith.extui %sign3A_9 : i1 to i32
    %sign3A_11 = arith.constant 0 : i32
    %sign3A_12 = arith.cmpi slt, %add3A_8, %sign3A_11 : i32
    %sign3A_13 = arith.extui %sign3A_12 : i1 to i32
    %sign3A_14 = arith.subi %sign3A_10, %sign3A_13 : i32
    %sign3A_15 = arith.constant 0 : i32
    %sign3A_16 = arith.cmpi sgt, %jit3A, %sign3A_15 : i32
    %sign3A_17 = arith.extui %sign3A_16 : i1 to i32
    %sign3A_18 = arith.constant 0 : i32
    %sign3A_19 = arith.cmpi slt, %jit3A, %sign3A_18 : i32
    %sign3A_20 = arith.extui %sign3A_19 : i1 to i32
    %sign3A_21 = arith.subi %sign3A_17, %sign3A_20 : i32
    %ne3A = arith.cmpi ne, %sign3A_14, %sign3A_21 : i32
    %rem3A = arith.remsi %add3A_8, %jit3A : i32
    %ne3A_22 = arith.constant 0 : i32
    %ne3A_23 = arith.cmpi ne, %rem3A, %ne3A_22 : i32
    %and3A = arith.andi %ne3A, %ne3A_23 : i1
    %sub3A = arith.constant 1 : i32
    %sub3A_24 = arith.subi %div3A, %sub3A : i32
    %select_n3A = arith.select %and3A, %sub3A_24, %div3A : i32
    %get3A_25 = arith.constant 0 : index
    %get3A_26 = arith.constant 0 : index
    %get3A_27 = arith.constant 0 : index
    %get3A_28 = vector.load %arg2[%get3A_25, %get3A_26, %get3A_27] : memref<1x1x384xf32, #tpu.memory_space<vmem>>, vector<1x1x384xf32>
    %get3A_29 = vector.shape_cast %get3A_28 : vector<1x1x384xf32> to vector<1x384xf32>
    %transpose3A = tpu.transpose %get3A_29, [1, 0] : vector<1x384xf32> -> vector<384x1xf32>
    %gt3A = vector.broadcast %get3A_29 : vector<1x384xf32> to vector<384x384xf32>
    %gt3A_30 = vector.broadcast %transpose3A : vector<384x1xf32> to vector<384x384xf32>
    %gt3A_31 = arith.cmpf ogt, %gt3A, %gt3A_30 : vector<384x384xf32>
    %eq3A = vector.broadcast %get3A_29 : vector<1x384xf32> to vector<384x384xf32>
    %eq3A_32 = vector.broadcast %transpose3A : vector<384x1xf32> to vector<384x384xf32>
    %eq3A_33 = arith.cmpf oeq, %eq3A, %eq3A_32 : vector<384x384xf32>
    %gt3A_34 = arith.cmpi sgt, %iota3A_0, %iota3A : vector<384x384xi32>
    %and3A_35 = arith.andi %eq3A_33, %gt3A_34 : vector<384x384xi1>
    %or3A = arith.ori %gt3A_31, %and3A_35 : vector<384x384xi1>
    %convert_element_type3A = arith.extui %or3A : vector<384x384xi1> to vector<384x384xi32>
    %reduce_sum3A = arith.constant dense<0> : vector<384xi32>
    %reduce_sum3A_36 = vector.multi_reduction <add>, %convert_element_type3A, %reduce_sum3A [1] : vector<384x384xi32> to vector<384xi32>
    %broadcast_in_dim3A = vector.shape_cast %reduce_sum3A_36 : vector<384xi32> to vector<384x1xi32>
    %lt3A = vector.broadcast %select_n3A : i32 to vector<384x1xi32>
    %lt3A_37 = arith.cmpi slt, %broadcast_in_dim3A, %lt3A : vector<384x1xi32>
    %reduce_max3A = vector.shape_cast %get3A_29 : vector<1x384xf32> to vector<1x1x384xf32>
    %reduce_max3A_38 = arith.constant dense<0xFF800000> : vector<1xf32>
    %reduce_max3A_39 = vector.multi_reduction <maximumf>, %reduce_max3A, %reduce_max3A_38 [1, 2] : vector<1x1x384xf32> to vector<1xf32>
    %reduce_max3A_40 = vector.shape_cast %reduce_max3A_39 : vector<1xf32> to vector<1x1x1xf32>
    %reduce_max3A_41 = vector.extract %reduce_max3A_40[0, 0, 0] : f32 from vector<1x1x1xf32>
    %sub3A_42 = vector.broadcast %reduce_max3A_41 : f32 to vector<384x1xf32>
    %sub3A_43 = arith.subf %transpose3A, %sub3A_42 : vector<384x1xf32>
    %exp3A = math.exp %sub3A_43 : vector<384x1xf32>
    %jit3A_44 = arith.constant 0.000000e+00 : f32
    %broadcast_in_dim3A_45 = vector.broadcast %jit3A_44 : f32 to vector<384x1xf32>
    %select_n3A_46 = arith.select %lt3A_37, %exp3A, %broadcast_in_dim3A_45 : vector<384x1xi1>, vector<384x1xf32>
    %reduce_sum3A_47 = vector.shape_cast %select_n3A_46 : vector<384x1xf32> to vector<1x384x1xf32>
    %reduce_sum3A_48 = arith.constant dense<0.000000e+00> : vector<1xf32>
    %reduce_sum3A_49 = vector.multi_reduction <add>, %reduce_sum3A_47, %reduce_sum3A_48 [1, 2] : vector<1x384x1xf32> to vector<1xf32>
    %reduce_sum3A_50 = vector.shape_cast %reduce_sum3A_49 : vector<1xf32> to vector<1x1x1xf32>
    %reduce_sum3A_51 = vector.extract %reduce_sum3A_50[0, 0, 0] : f32 from vector<1x1x1xf32>
    %div3A_52 = vector.broadcast %reduce_sum3A_51 : f32 to vector<384x1xf32>
    %div3A_53 = arith.divf %select_n3A_46, %div3A_52 : vector<384x1xf32>
    %get3A_54 = arith.constant 0 : index
    %get3A_55 = arith.constant 0 : index
    %get3A_56 = arith.constant 0 : index
    %get3A_57 = vector.load %arg1[%get3A_54, %get3A_55, %get3A_56] : memref<1x384x1024xf32, #tpu.memory_space<vmem>>, vector<1x384x1024xf32>
    %get3A_58 = vector.shape_cast %get3A_57 : vector<1x384x1024xf32> to vector<384x1024xf32>
    %logistic3A = arith.negf %get3A_58 : vector<384x1024xf32>
    %logistic3A_59 = math.exp %logistic3A : vector<384x1024xf32>
    %logistic3A_60 = arith.constant 1.000000e+00 : f32
    %logistic3A_61 = vector.broadcast %logistic3A_60 : f32 to vector<384x1024xf32>
    %logistic3A_62 = arith.addf %logistic3A_61, %logistic3A_59 : vector<384x1024xf32>
    %logistic3A_63 = arith.divf %logistic3A_61, %logistic3A_62 : vector<384x1024xf32>
    %transpose3A_64 = tpu.transpose %div3A_53, [1, 0] : vector<384x1xf32> -> vector<1x384xf32>
    %dot_general3A = arith.constant dense<0.000000e+00> : vector<1x1024xf32>
    %dot_general3A_65 = tpu.matmul %transpose3A_64, %logistic3A_63, %dot_general3A {dimension_numbers = #tpu.dot_dimension_numbers<[1], [0], [0], [1], [0, 0, 1, 1], [], []>, transpose_lhs_hint = false} : vector<1x384xf32>, vector<384x1024xf32>, vector<1x1024xf32> -> vector<1x1024xf32>
    %add3A_66 = arith.constant 1.000000e+00 : f32
    %add3A_67 = vector.broadcast %add3A_66 : f32 to vector<1x1024xf32>
    %add3A_68 = arith.addf %add3A_67, %dot_general3A_65 : vector<1x1024xf32>
    %mul3A = vector.broadcast %add3A_68 : vector<1x1024xf32> to vector<384x1024xf32>
    %mul3A_69 = arith.mulf %get3A_58, %mul3A : vector<384x1024xf32>
    %swap3A = arith.constant 0 : index
    %swap3A_70 = arith.constant 0 : index
    %swap3A_71 = arith.constant 0 : index
    %swap3A_72 = vector.load %arg4[%swap3A, %swap3A_70, %swap3A_71] : memref<1x384x1024xf32, #tpu.memory_space<vmem>>, vector<1x384x1024xf32>
    %swap3A_73 = vector.shape_cast %swap3A_72 : vector<1x384x1024xf32> to vector<384x1024xf32>
    %swap3A_74 = vector.shape_cast %mul3A_69 : vector<384x1024xf32> to vector<1x384x1024xf32>
    tpu.vector_store %arg4[%swap3A, %swap3A_70, %swap3A_71], %swap3A_74 {strides = array<i32>} : memref<1x384x1024xf32, #tpu.memory_space<vmem>>, vector<1x384x1024xf32>,
    return
  }
  func.func @transform_0(%arg0: i32) -> (i32, i32, i32) {
    %c0_i32 = arith.constant 0 : i32
    %c0_i32_0 = arith.constant 0 : i32
    %c0_i32_1 = arith.constant 0 : i32
    return %arg0, %c0_i32, %c0_i32_0 : i32, i32, i32
  }
  func.func @transform_1(%arg0: i32) -> (i32, i32, i32) {
    %c0_i32 = arith.constant 0 : i32
    %c0_i32_0 = arith.constant 0 : i32
    %c0_i32_1 = arith.constant 0 : i32
    return %arg0, %c0_i32, %c0_i32_0 : i32, i32, i32
  }
  func.func @transform_2(%arg0: i32) -> (i32, i32, i32) {
    %c0_i32 = arith.constant 0 : i32
    %c0_i32_0 = arith.constant 0 : i32
    %c0_i32_1 = arith.constant 0 : i32
    %c0_i32_2 = arith.constant 0 : i32
    return %c0_i32, %c0_i32_0, %c0_i32_1 : i32, i32, i32
  }
  func.func @transform_3(%arg0: i32) -> (i32, i32, i32) {
    %c0_i32 = arith.constant 0 : i32
    %c0_i32_0 = arith.constant 0 : i32
    %c0_i32_1 = arith.constant 0 : i32
    return %arg0, %c0_i32, %c0_i32_0 : i32, i32, i32
  }
}

</mosaic_0001>

<sc_bundles>
// kernel: kernel.5.cloned.1.call-start
scs
__scs_entry_jumppad:
0x0: {  	(pc) =	sbr.rel $0x88, $3  }
0x1: {  	(tag) =	ssettag $0x0;
	lr =	simm.s32 $0x1  }
0x2: {  	[smem:$0x3F9F] =	sst lr;
	_ =	strace $0xD0000000  }
0x3: {  	_ = 	snop  }
0x4: {  	_ = 	snop  }
0x5: {  	_ = 	snop  }
0x6: {  	_ = 	snop  }
0x7: {  	_ = 	snop  }
__scs_overlays_trampoline_lowered:
0x8: {  	[smem:$0x3FAE] =	sst s0  }
0x9: {  	[smem:$0x3FAF] =	sst s1  }
0xa: {  	[smem:$0x3FB0] =	sst s2  }
0xb: {  	[smem:$0x3FB1] =	sst s3  }
0xc: {  	[smem:$0x3FB2] =	sst s4  }
0xd: {  	[smem:$0x3FB3] =	sst s5  }
0xe: {  	[smem:$0x3FB4] =	sst s6  }
0xf: {  	[smem:$0x3FB5] =	sst s7  }
0x10: {  	[smem:$0x3FB6] =	sst s8  }
0x11: {  	[smem:$0x3FB7] =	sst s9;
	s0 =	simm.s32 @!p0 $0x0  }
0x12: {  	s1 =	sld [smem:$0x3F9D];
	s0 =	simm.s32 @p0 $0x1  }
0x13: {  	[smem:$0x3FB8] =	sst s0;
	s0 =	simm.s32 @!p1 $0x0  }
0x14: {  	s2 =	sld [smem:$0x3F9C];
	s0 =	simm.s32 @p1 $0x1  }
0x15: {  	[smem:$0x3FB9] =	sst s0;
	s0 =	simm.s32 @!p2 $0x0  }
0x16: {  	s3 =	sld [smem:$0x3FDB];
	s0 =	simm.s32 @p2 $0x1  }
0x17: {  	s4 =	simm.s32 $0x1BF5;
	[smem:$0x3FBB] =	sst s0  }
0x18: {  	s0 =	sld [smem:$0x3F9E];
	_ =	swait.ge [sflag:s4], $0x0  }
0x19: {  	s7 =	sld [smem:$0x3F9F]  }
0x1a: {  	s8 =	sadd.s32 $0xFFFFE003, lr  }
0x1b: {  	s9 =	sadd.s32 $0xFFFFFEF7, lr;
	s5 =	simm.s32 $0xFFFFFFFF;
	p2 =	slt.u32 s8, $0xFFFFF086  }
0x1c: {  	p1 =	slt.u32 s9, $0xF7A;
	s5 =	simm.s32 @!p2 $0x0  }
0x1d: {  	s5 =	simm.s32 @p1 $0x1;
	p0 =	seq.s32 s7, s2  }
0x1e: {  	s7 =	smul.u32 @!p0 $0xF7A, s2;
	p2 =	seq.s32 @!p0 s5, $0x0  }
0x1f: {  	s9 =	smul.u32 $0xF7A, s1;
	s8 =	simm.s32 @!p0 $0x1BF5;
	p2 =	por !p2, p0  }
0x20: {  	[sflag:s8] =	ssyncset.s32 @!p0 $0xFFFFF086;
	s6 =	sadd.s32 @!p0 s3, s7;
	s7 =	simm.s32 @!p0 $0x108  }
0x21: {  	s3 =	sadd.s32 s3, s9;
	s6 =	sadd.s32 @!p0 $0x88, s6;
	s7 =	simm.s32 @p2 $0x1082  }
0x22: {  	[simem:s7], [sflag:s8] =	dma.local @!p0 [hbm:s6], $0xF7A  }
0x23: {  	s9 =	sor.u32 $0xD0000000, s2;
	s6 =	simm.s32 $0x108;
	_ =	swait.ge @!p0 [sflag:s8], $0x0  }
0x24: {  	s3 =	sadd.s32 $0x88, s3;
	s6 =	simm.s32 @!p1 $0x1082;
	[sflag:s4] =	ssyncset.s32 $0xFFFFF086  }
0x25: {  	[simem:s6], [sflag:s4] =	dma.local [hbm:s3], $0xF7A  }
0x26: {  	[smem:$0x3F9F] =	sst s1;
	(tag) =	ssettag s2;
	_ =	strace s9  }
0x27: {  	s1 =	sld [smem:$0x3FAF]  }
0x28: {  	s2 =	sld [smem:$0x3FB0]  }
0x29: {  	s4 =	sld [smem:$0x3FB2]  }
0x2a: {  	p0 =	seq.s32 s5, $0x0;
	s5 =	sld [smem:$0x3FB3]  }
0x2b: {  	s6 =	sld [smem:$0x3FB4]  }
0x2c: {  	s7 =	sld [smem:$0x3FB5]  }
0x2d: {  	s3 =	simm.s32 $0x108;
	s8 =	sld [smem:$0x3FB6]  }
0x2e: {  	s3 =	simm.s32 @!p0 $0x1082;
	s9 =	sld [smem:$0x3FB7]  }
0x2f: {  	lr =	sadd.s32 s0, s3;
	s0 =	sld [smem:$0x3FAE]  }
0x30: {  	s3 =	sld [smem:$0x3FB1]  }
0x31: {  	[smem:$0x3FBA] =	sst s10  }
0x32: {  	s10 =	sld [smem:$0x3FB8];
	_ =	sdelay $0x3  }
0x33: {  	p0 =	seq.s32 s10, $0x1;
	s10 =	sld [smem:$0x3FBA];
	_ =	sdelay $0x3  }
0x34: {  	[smem:$0x3FBA] =	sst s10  }
0x35: {  	s10 =	sld [smem:$0x3FB9];
	_ =	sdelay $0x3  }
0x36: {  	p1 =	seq.s32 s10, $0x1;
	s10 =	sld [smem:$0x3FBA];
	_ =	sdelay $0x3  }
0x37: {  	[smem:$0x3FBA] =	sst s10  }
0x38: {  	s10 =	sld [smem:$0x3FBB]  }
0x39: {  	_ = 	snop;
	(pc) =	sbr.ind lr, $3  }
0x3a: {  	_ = 	snop  }
0x3b: {  	_ = 	snop  }
0x3c: {  	p2 =	seq.s32 s10, $0x1;
	s10 =	sld [smem:$0x3FBA]  }
0x3d: {  	_ =	shalt  }
0x3e: {  	_ =	shalt  }
0x3f: {  	_ =	shalt  }
0x40: {  	_ =	shalt  }
0x41: {  	_ =	shalt  }
0x42: {  	_ =	shalt  }
0x43: {  	_ =	shalt  }
0x44: {  	_ =	shalt  }
0x45: {  	_ =	shalt  }
0x46: {  	_ =	shalt  }
0x47: {  	_ =	shalt  }
0x48: {  	_ =	shalt  }
0x49: {  	_ =	shalt  }
0x4a: {  	_ =	shalt  }
0x4b: {  	_ =	shalt  }
0x4c: {  	_ =	shalt  }
0x4d: {  	_ =	shalt  }
0x4e: {  	_ =	shalt  }
0x4f: {  	_ =	shalt  }
0x50: {  	_ =	shalt  }
0x51: {  	_ =	shalt  }
0x52: {  	_ =	shalt  }
0x53: {  	_ =	shalt  }
0x54: {  	_ =	shalt  }
0x55: {  	_ =	shalt  }
0x56: {  	_ =	shalt  }
0x57: {  	_ =	shalt  }
0x58: {  	_ =	shalt  }
0x59: {  	_ =	shalt  }
0x5a: {  	_ =	shalt  }
0x5b: {  	_ =	shalt  }
0x5c: {  	_ =	shalt  }
0x5d: {  	_ =	shalt  }
0x5e: {  	_ =	shalt  }
0x5f: {  	_ =	shalt  }
0x60: {  	_ =	shalt  }
0x61: {  	_ =	shalt  }
0x62: {  	_ =	shalt  }
0x63: {  	_ =	shalt  }
0x64: {  	_ =	shalt  }
0x65: {  	_ =	shalt  }
0x66: {  	_ =	shalt  }
0x67: {  	_ =	shalt  }
0x68: {  	_ =	shalt  }
0x69: {  	_ =	shalt  }
0x6a: {  	_ =	shalt  }
0x6b: {  	_ =	shalt  }
0x6c: {  	_ =	shalt  }
0x6d: {  	_ =	shalt  }
0x6e: {  	_ =	shalt  }
0x6f: {  	_ =	shalt  }
0x70: {  	_ =	shalt  }
0x71: {  	_ =	shalt  }
0x72: {  	_ =	shalt  }
0x73: {  	_ =	shalt  }
0x74: {  	_ =	shalt  }
0x75: {  	_ =	shalt  }
0x76: {  	_ =	shalt  }
0x77: {  	_ =	shalt  }
0x78: {  	_ =	shalt  }
0x79: {  	_ =	shalt  }
0x7a: {  	_ =	shalt  }
0x7b: {  	_ =	shalt  }
0x7c: {  	_ =	shalt  }
0x7d: {  	_ =	shalt  }
0x7e: {  	_ =	shalt  }
0x7f: {  	_ =	shalt  }
0x80: {  	_ =	shalt  }
0x81: {  	_ =	shalt  }
0x82: {  	_ =	shalt  }
0x83: {  	_ =	shalt  }
0x84: {  	_ =	shalt  }
0x85: {  	_ =	shalt  }
0x86: {  	_ =	shalt  }
0x87: {  	_ =	shalt  }
.Lfunc_end0:
.L_simem_size_0:
called_computation_lowered:
.L_overlay_start_0:
0x88: {  	s2 =	sld [smem:$0x3FD9]  }
0x89: {  	s3 =	sld [smem:$0x3FFE];
	_ =	sdelay $0x1  }
0x8a: {  	s1 =	srdreg.scid  }
0x8b: {  	s0 =	sand.u32 $0x1, s1  }
0x8c: {  	s17 =	sshll.u32 s0, $0xA;
	s2 =	sadd.s32 s3, s2  }
0x8d: {  	s2 =	sadd.s32 s2, s17  }
0x8e: {  	[smem:$0x3FC6] =	sst s2  }
0x8f: {  	_ = 	snop  }
0x90: {  	s2 =	sld [smem:$0x3FD0];
	(tm) =	ssettm $0x1  }
0x91: {  	s18 =	sld [smem:$0x3FFB];
	_ =	sdelay $0x3  }
0x92: {  	_ =	strace s18  }
0x93: {  	s3 =	sld [smem:$0x3FFC];
	_ =	sdelay $0x3  }
0x94: {  	_ =	strace s3  }
0x95: {  	s3 =	sld [smem:$0x3FFD];
	_ =	sdelay $0x3  }
0x96: {  	_ =	strace s3  }
0x97: {  	_ =	strace $0x8FFFFFFF  }
0x98: {  	s19 =	sld [smem:$0x3FDB];
	_ =	sdelay $0x1  }
0x99: {  	s4 =	simm.s32 $_scs_section_size  }
0x9a: {  	s5 =	simm.s32 $_size__tile_overlayer_lowered;
	s6 =	simm.s32 $_tile_overlayer_lowered  }
0x9b: {  	s22 =	simm.s32 $0x1BFF;
	s21 =	sshll.u32 s6, $0x1;
	s3 =	sadd.s32 s4, s19  }
0x9c: {  	s7 =	simm.s32 $0x0;
	s20 =	sshll.u32 s5, $0x1;
	s5 =	sadd.s32 s21, s3  }
0x9d: {  	[timem:s7], [sflag:s22] =	dma.local [hbm:s5], s20  }
0x9e: {  	_ =	swait.ge [sflag:s22], s20  }
0x9f: {  	s4 =	ssub.s32 $0x0, s20;
	[sflag:s22] =	ssyncset.done $0x0  }
0xa0: {  	[sflag:s22] =	ssyncadd.s32 s4;
	_ =	sdelay $0x1  }
0xa1: {  	s23 =	simm.s32 $0x1B8B  }
0xa2: {  	_ =	swait.ge [sflag:s23], $0x1  }
0xa3: {  	[sflag:s23] =	ssyncset.done $0x0  }
0xa4: {  	s25 =	simm.s32 $0x1B8E;
	s24 =	sld [smem:$0x3FFE];
	[sflag:s23] =	ssyncadd.s32 $0xFFFFFFFF  }
0xa5: {  	s26 =	simm.s32 $execute0_lowered;
	[smem:$0x3FD2] =	sst s25  }
0xa6: {  	s5 =	sshll.u32 s26, $0x1;
	_ =	strace $0x80000046;
	[dreg:$0x1] =	wrdreg $0xFFFFFFFF  }
0xa7: {  	s28 =	simm.s32 $_size_execute0_lowered;
	s3 =	sadd.s32 s3, s5;
	[dreg:$0x0] =	wrdreg $0x0  }
0xa8: {  	s5 =	sshll.u32 s28, $0x1;
	[dreg:$0x2] =	wrdreg s3  }
0xa9: {  	[dreg:$0x3] =	wrdreg s5  }
0xaa: {  	[dreg:$0x4] =	wrdreg $0xC0  }
0xab: {  	_ =	task [dreg:s7], $0x5FFFF  }
0xac: {  	[dreg:$0x1] =	wrdreg $0xFFFFFFFF  }
0xad: {  	[dreg:$0x0] =	wrdreg $0x60  }
0xae: {  	[dreg:$0x2] =	wrdreg s2  }
0xaf: {  	[dreg:$0x3] =	wrdreg s24  }
0xb0: {  	[dreg:$0x4] =	wrdreg $0x9  }
0xb1: {  	_ =	task.clear_ibuf [dreg:s7], $0x5FFFF;
	_ =	strace $0x90000046  }
0xb2: {  	s29 =	simm.s32 $0x9;
	_ =	strace $0x80000048  }
0xb3: {  	_ =	swait.ge [sflag:s29], $0x1  }
0xb4: {  	[sflag:s29] =	ssyncadd.s32 $0xFFFFFFFF  }
0xb5: {  	_ =	strace $0x90000048  }
0xb6: {  	_ =	sfence  }
0xb7: {  	s30 =	sld [smem:$0x0];
	_ =	sdelay $0x2  }
0xb8: {  	s31 =	sshll.u32 s1, $0xD;
	s1 =	sshrl.u32 s1, $0x2  }
0xb9: {  	s3 =	sand.u32 $0x4000, s31;
	s1 =	sadd.s32 s1, s30  }
0xba: {  	s0 =	sor.u32 s3, s0;
	s1 =	sshll.u32 s1, $0x11  }
0xbb: {  	s0 =	sor.u32 s1, s0  }
0xbc: {  	s0 =	sadd.s32 $0x8F2B, s0  }
0xbd: {  	[sflag:s0] =	ssyncadd.remote.s32 $0x1  }
0xbe: {  	_ =	sfence.sel $0xFFFF  }
0xbf: {  	[dreg:$0x0] =	wrdreg $0xFFFFFFFF;
	(pc) =	sbr.abs _section_cstart, $3  }
0xc0: {  	[dreg:$0x1] =	wrdreg $0xFFFFFFFF  }
0xc1: {  	_ =	task.clear_ibuf [dreg:s7], $0x2FFFF;
	_ =	strace $0x9FFFFFFF  }
0xc2: {  	(tm) =	ssettm $0x7FFFFFFF  }
0xc3: {  	_ =	shalt  }
tec
execute0_lowered:
.L_overlay_start_1:
0x0: {  	(tag) =	ssettag $0x1  }
0x1: {  	s1 =	stileid.u32  }
0x2: {  	p0 =	sgt.u32 s1, $0x1  }
.Ltmp0:
0x3: {  	_ = 	snop;
	(pc) =	sbr.rel @p0 .LBB2_3-.Ltmp0, $4  }
0x4: {  	s3 =	rddreg [dreg:$0x0]  }
0x5: {  	s4 =	rddreg [dreg:$0x1];
	s2 =	simm.s32 $0x0  }
0x6: {  	[smem:$0x7FF] =	sst s2  }
0x7: {  	s0 =	rddreg [dreg:$0x2];
	_ =	strace $0x80000047  }
0x8: {  	s5 =	srdreg.scid  }
0x9: {  	s6 =	sshll.u32 s1, $0x1;
	s5 =	sand.u32 $0x1, s5  }
0xa: {  	s6 =	sor.u32 s5, s6  }
0xb: {  	s8 =	sadd.s32 $0x400, s4;
	s11 =	simm.s32 $0x480;
	s7 =	smul.u32 $0x30, s6  }
0xc: {  	s12 =	simm.s32 $0x600;
	s10 =	ssub.s32 $0x2, s5;
	s6 =	sshll.u32 s6, $0x1  }
0xd: {  	s31 =	sshrl.u32 s10, $0x1;
	s6 =	sadd.s32 s6, s4;
	s9 =	sadd.s32 s7, s4  }
0xe: {  	s3 =	sadd.s32 s3, s7;
	s5 =	sadd.s32 $0x800, s6;
	s6 =	sadd.s32 s8, s7  }
0xf: {  	s8 =	simm.s32 $0x1;
	s4 =	sadd.s32 $0x600, s9;
	s9 =	ssub.s32 s10, s31  }
0x10: {  	v0 =	vimm.f32 $0.0e+00;
	v1 =	vimm.s32 $0x0;
	v2 =	vimm.s32 $0x1;
	s10 =	simm.s32 $0x300;
	s7 =	smax.u32 s9, $0x1;
	s9 =	simm.s32 $0x180  }
.LBB2_2:
0x11: {  	[tilespmem:s2], [sflag:$0x1] =	stream.linear.gather [hbm4b:s6+s2], $0x180, $0x38;
	[tilespmem:$0x610] =	vst v63  }
0x12: {  	_ =	swait.ge [sflag:s8], $0x180  }
0x13: {  	[sflag:s8] =	ssyncset.done $0x0  }
0x14: {  	[sflag:s8] =	ssyncadd.s32 $0xFFFFFE80  }
0x15: {  	[tilespmem:s9], [sflag:$0x1] =	stream.linear.gather [hbm4b:s3+s2], $0x180, $0x38;
	[tilespmem:$0x610] =	vst v63  }
0x16: {  	_ =	swait.ge [sflag:s8], $0x180  }
0x17: {  	[sflag:s8] =	ssyncset.done $0x0  }
0x18: {  	[sflag:s8] =	ssyncadd.s32 $0xFFFFFE80  }
0x19: {  	[tilespmem:$0x300] =	vst v0  }
0x1a: {  	[tilespmem:$0x480] =	vst v1  }
0x1b: {  	[tilespmem:$0x310] =	vst v0  }
0x1c: {  	[tilespmem:$0x490] =	vst v1  }
0x1d: {  	[tilespmem:$0x320] =	vst v0  }
0x1e: {  	[tilespmem:$0x4A0] =	vst v1  }
0x1f: {  	[tilespmem:$0x330] =	vst v0  }
0x20: {  	[tilespmem:$0x4B0] =	vst v1  }
0x21: {  	[tilespmem:$0x340] =	vst v0  }
0x22: {  	[tilespmem:$0x4C0] =	vst v1  }
0x23: {  	[tilespmem:$0x350] =	vst v0  }
0x24: {  	[tilespmem:$0x4D0] =	vst v1  }
0x25: {  	[tilespmem:$0x360] =	vst v0  }
0x26: {  	[tilespmem:$0x4E0] =	vst v1  }
0x27: {  	[tilespmem:$0x370] =	vst v0  }
0x28: {  	[tilespmem:$0x4F0] =	vst v1  }
0x29: {  	[tilespmem:$0x380] =	vst v0  }
0x2a: {  	[tilespmem:$0x500] =	vst v1  }
0x2b: {  	[tilespmem:$0x390] =	vst v0  }
0x2c: {  	[tilespmem:$0x510] =	vst v1  }
0x2d: {  	[tilespmem:$0x3A0] =	vst v0  }
0x2e: {  	[tilespmem:$0x520] =	vst v1  }
0x2f: {  	[tilespmem:$0x3B0] =	vst v0  }
0x30: {  	[tilespmem:$0x530] =	vst v1  }
0x31: {  	[tilespmem:$0x3C0] =	vst v0  }
0x32: {  	[tilespmem:$0x540] =	vst v1  }
0x33: {  	[tilespmem:$0x3D0] =	vst v0  }
0x34: {  	[tilespmem:$0x550] =	vst v1  }
0x35: {  	[tilespmem:$0x3E0] =	vst v0  }
0x36: {  	[tilespmem:$0x560] =	vst v1  }
0x37: {  	[tilespmem:$0x3F0] =	vst v0  }
0x38: {  	[tilespmem:$0x570] =	vst v1  }
0x39: {  	[tilespmem:$0x400] =	vst v0  }
0x3a: {  	[tilespmem:$0x580] =	vst v1  }
0x3b: {  	[tilespmem:$0x410] =	vst v0  }
0x3c: {  	[tilespmem:$0x590] =	vst v1  }
0x3d: {  	[tilespmem:$0x420] =	vst v0  }
0x3e: {  	[tilespmem:$0x5A0] =	vst v1  }
0x3f: {  	[tilespmem:$0x430] =	vst v0  }
0x40: {  	[tilespmem:$0x5B0] =	vst v1  }
0x41: {  	[tilespmem:$0x440] =	vst v0;
	v3 =	vld [tilespmem:$0x0]  }
0x42: {  	[tilespmem:$0x5C0] =	vst v1  }
0x43: {  	[tilespmem:$0x450] =	vst v0  }
0x44: {  	[tilespmem:$0x5D0] =	vst v1;
	v4 =	vld [tilespmem:$0x180]  }
0x45: {  	[tilespmem:$0x460] =	vst v0  }
0x46: {  	[tilespmem:$0x5E0] =	vst v1  }
0x47: {  	[tilespmem:$0x470] =	vst v0  }
0x48: {  	[tilespmem:$0x5F0] =	vst v1  }
0x49: {  	[tilespmem:v3+s10+$0x0] =	vst.idx.add.f32.msk $0xffff, v4  }
0x4a: {  	[tilespmem:v3+s11+$0x0] =	vst.idx.add.s32.msk $0xffff, v2  }
0x4b: {  	v3 =	vld [tilespmem:$0x10];
	_ =	sdelay $0x2  }
0x4c: {  	v4 =	vld [tilespmem:$0x190];
	_ =	sdelay $0x4  }
0x4d: {  	[tilespmem:v3+s10+$0x0] =	vst.idx.add.f32.msk $0xffff, v4  }
0x4e: {  	[tilespmem:v3+s11+$0x0] =	vst.idx.add.s32.msk $0xffff, v2  }
0x4f: {  	v3 =	vld [tilespmem:$0x20];
	_ =	sdelay $0x2  }
0x50: {  	v4 =	vld [tilespmem:$0x1A0];
	_ =	sdelay $0x4  }
0x51: {  	[tilespmem:v3+s10+$0x0] =	vst.idx.add.f32.msk $0xffff, v4  }
0x52: {  	[tilespmem:v3+s11+$0x0] =	vst.idx.add.s32.msk $0xffff, v2  }
0x53: {  	v3 =	vld [tilespmem:$0x30];
	_ =	sdelay $0x2  }
0x54: {  	v4 =	vld [tilespmem:$0x1B0];
	_ =	sdelay $0x4  }
0x55: {  	[tilespmem:v3+s10+$0x0] =	vst.idx.add.f32.msk $0xffff, v4  }
0x56: {  	[tilespmem:v3+s11+$0x0] =	vst.idx.add.s32.msk $0xffff, v2  }
0x57: {  	v3 =	vld [tilespmem:$0x40];
	_ =	sdelay $0x2  }
0x58: {  	v4 =	vld [tilespmem:$0x1C0];
	_ =	sdelay $0x4  }
0x59: {  	[tilespmem:v3+s10+$0x0] =	vst.idx.add.f32.msk $0xffff, v4  }
0x5a: {  	[tilespmem:v3+s11+$0x0] =	vst.idx.add.s32.msk $0xffff, v2  }
0x5b: {  	v3 =	vld [tilespmem:$0x50];
	_ =	sdelay $0x2  }
0x5c: {  	v4 =	vld [tilespmem:$0x1D0];
	_ =	sdelay $0x4  }
0x5d: {  	[tilespmem:v3+s10+$0x0] =	vst.idx.add.f32.msk $0xffff, v4  }
0x5e: {  	[tilespmem:v3+s11+$0x0] =	vst.idx.add.s32.msk $0xffff, v2  }
0x5f: {  	v3 =	vld [tilespmem:$0x60];
	_ =	sdelay $0x2  }
0x60: {  	v4 =	vld [tilespmem:$0x1E0];
	_ =	sdelay $0x4  }
0x61: {  	[tilespmem:v3+s10+$0x0] =	vst.idx.add.f32.msk $0xffff, v4  }
0x62: {  	[tilespmem:v3+s11+$0x0] =	vst.idx.add.s32.msk $0xffff, v2  }
0x63: {  	v3 =	vld [tilespmem:$0x70];
	_ =	sdelay $0x2  }
0x64: {  	v4 =	vld [tilespmem:$0x1F0];
	_ =	sdelay $0x4  }
0x65: {  	[tilespmem:v3+s10+$0x0] =	vst.idx.add.f32.msk $0xffff, v4  }
0x66: {  	[tilespmem:v3+s11+$0x0] =	vst.idx.add.s32.msk $0xffff, v2  }
0x67: {  	v3 =	vld [tilespmem:$0x80];
	_ =	sdelay $0x2  }
0x68: {  	v4 =	vld [tilespmem:$0x200];
	_ =	sdelay $0x4  }
0x69: {  	[tilespmem:v3+s10+$0x0] =	vst.idx.add.f32.msk $0xffff, v4  }
0x6a: {  	[tilespmem:v3+s11+$0x0] =	vst.idx.add.s32.msk $0xffff, v2  }
0x6b: {  	v3 =	vld [tilespmem:$0x90];
	_ =	sdelay $0x2  }
0x6c: {  	v4 =	vld [tilespmem:$0x210];
	_ =	sdelay $0x4  }
0x6d: {  	[tilespmem:v3+s10+$0x0] =	vst.idx.add.f32.msk $0xffff, v4  }
0x6e: {  	[tilespmem:v3+s11+$0x0] =	vst.idx.add.s32.msk $0xffff, v2  }
0x6f: {  	v3 =	vld [tilespmem:$0xA0];
	_ =	sdelay $0x2  }
0x70: {  	v4 =	vld [tilespmem:$0x220];
	_ =	sdelay $0x4  }
0x71: {  	[tilespmem:v3+s10+$0x0] =	vst.idx.add.f32.msk $0xffff, v4  }
0x72: {  	[tilespmem:v3+s11+$0x0] =	vst.idx.add.s32.msk $0xffff, v2  }
0x73: {  	v3 =	vld [tilespmem:$0xB0];
	_ =	sdelay $0x2  }
0x74: {  	v4 =	vld [tilespmem:$0x230];
	_ =	sdelay $0x4  }
0x75: {  	[tilespmem:v3+s10+$0x0] =	vst.idx.add.f32.msk $0xffff, v4  }
0x76: {  	[tilespmem:v3+s11+$0x0] =	vst.idx.add.s32.msk $0xffff, v2  }
0x77: {  	v3 =	vld [tilespmem:$0xC0];
	_ =	sdelay $0x2  }
0x78: {  	v4 =	vld [tilespmem:$0x240];
	_ =	sdelay $0x4  }
0x79: {  	[tilespmem:v3+s10+$0x0] =	vst.idx.add.f32.msk $0xffff, v4  }
0x7a: {  	[tilespmem:v3+s11+$0x0] =	vst.idx.add.s32.msk $0xffff, v2  }
0x7b: {  	v3 =	vld [tilespmem:$0xD0];
	_ =	sdelay $0x2  }
0x7c: {  	v4 =	vld [tilespmem:$0x250];
	_ =	sdelay $0x4  }
0x7d: {  	[tilespmem:v3+s10+$0x0] =	vst.idx.add.f32.msk $0xffff, v4  }
0x7e: {  	[tilespmem:v3+s11+$0x0] =	vst.idx.add.s32.msk $0xffff, v2  }
0x7f: {  	v3 =	vld [tilespmem:$0xE0];
	_ =	sdelay $0x2  }
0x80: {  	v4 =	vld [tilespmem:$0x260];
	_ =	sdelay $0x4  }
0x81: {  	[tilespmem:v3+s10+$0x0] =	vst.idx.add.f32.msk $0xffff, v4  }
0x82: {  	[tilespmem:v3+s11+$0x0] =	vst.idx.add.s32.msk $0xffff, v2  }
0x83: {  	v3 =	vld [tilespmem:$0xF0];
	_ =	sdelay $0x2  }
0x84: {  	v4 =	vld [tilespmem:$0x270];
	_ =	sdelay $0x4  }
0x85: {  	[tilespmem:v3+s10+$0x0] =	vst.idx.add.f32.msk $0xffff, v4  }
0x86: {  	[tilespmem:v3+s11+$0x0] =	vst.idx.add.s32.msk $0xffff, v2  }
0x87: {  	v3 =	vld [tilespmem:$0x100];
	_ =	sdelay $0x2  }
0x88: {  	v4 =	vld [tilespmem:$0x280];
	_ =	sdelay $0x4  }
0x89: {  	[tilespmem:v3+s10+$0x0] =	vst.idx.add.f32.msk $0xffff, v4  }
0x8a: {  	[tilespmem:v3+s11+$0x0] =	vst.idx.add.s32.msk $0xffff, v2  }
0x8b: {  	v3 =	vld [tilespmem:$0x110];
	_ =	sdelay $0x2  }
0x8c: {  	v4 =	vld [tilespmem:$0x290];
	_ =	sdelay $0x4  }
0x8d: {  	[tilespmem:v3+s10+$0x0] =	vst.idx.add.f32.msk $0xffff, v4  }
0x8e: {  	[tilespmem:v3+s11+$0x0] =	vst.idx.add.s32.msk $0xffff, v2  }
0x8f: {  	v3 =	vld [tilespmem:$0x120];
	_ =	sdelay $0x2  }
0x90: {  	v4 =	vld [tilespmem:$0x2A0];
	_ =	sdelay $0x4  }
0x91: {  	[tilespmem:v3+s10+$0x0] =	vst.idx.add.f32.msk $0xffff, v4  }
0x92: {  	[tilespmem:v3+s11+$0x0] =	vst.idx.add.s32.msk $0xffff, v2  }
0x93: {  	v3 =	vld [tilespmem:$0x130];
	_ =	sdelay $0x2  }
0x94: {  	v4 =	vld [tilespmem:$0x2B0];
	_ =	sdelay $0x4  }
0x95: {  	[tilespmem:v3+s10+$0x0] =	vst.idx.add.f32.msk $0xffff, v4  }
0x96: {  	[tilespmem:v3+s11+$0x0] =	vst.idx.add.s32.msk $0xffff, v2  }
0x97: {  	v3 =	vld [tilespmem:$0x140];
	_ =	sdelay $0x2  }
0x98: {  	v4 =	vld [tilespmem:$0x2C0];
	_ =	sdelay $0x4  }
0x99: {  	[tilespmem:v3+s10+$0x0] =	vst.idx.add.f32.msk $0xffff, v4  }
0x9a: {  	[tilespmem:v3+s11+$0x0] =	vst.idx.add.s32.msk $0xffff, v2  }
0x9b: {  	v3 =	vld [tilespmem:$0x150];
	_ =	sdelay $0x2  }
0x9c: {  	v4 =	vld [tilespmem:$0x2D0];
	_ =	sdelay $0x4  }
0x9d: {  	[tilespmem:v3+s10+$0x0] =	vst.idx.add.f32.msk $0xffff, v4  }
0x9e: {  	[tilespmem:v3+s11+$0x0] =	vst.idx.add.s32.msk $0xffff, v2  }
0x9f: {  	v3 =	vld [tilespmem:$0x160];
	_ =	sdelay $0x2  }
0xa0: {  	v4 =	vld [tilespmem:$0x2E0];
	_ =	sdelay $0x4  }
0xa1: {  	[tilespmem:v3+s10+$0x0] =	vst.idx.add.f32.msk $0xffff, v4  }
0xa2: {  	[tilespmem:v3+s11+$0x0] =	vst.idx.add.s32.msk $0xffff, v2  }
0xa3: {  	v3 =	vld [tilespmem:$0x170];
	_ =	sdelay $0x2  }
0xa4: {  	v4 =	vld [tilespmem:$0x2F0];
	_ =	sdelay $0x4  }
0xa5: {  	[tilespmem:v3+s10+$0x0] =	vst.idx.add.f32.msk $0xffff, v4  }
0xa6: {  	[tilespmem:v3+s11+$0x0] =	vst.idx.add.s32.msk $0xffff, v2  }
0xa7: {  	v3 =	vld [tilespmem:$0x480]  }
0xa8: {  	v4 =	vld [tilespmem:$0x490]  }
0xa9: {  	v5 =	vld [tilespmem:$0x4A0]  }
0xaa: {  	v6 =	vld [tilespmem:$0x4B0]  }
0xab: {  	v7 =	vld [tilespmem:$0x4C0]  }
0xac: {  	v8 =	vld [tilespmem:$0x4D0]  }
0xad: {  	vm0 =	vgt.s32 v3, $0x0;
	vm1 =	vgt.s32 v4, $0x0;
	v3 =	vld [tilespmem:$0x4E0]  }
0xae: {  	v29 =	vld [tilespmem:$0x4F0];
	vm6 =	vgt.s32 v5, $0x0;
	v28 =	vsel vm0, $0x1, v1;
	v9 =	vsel vm1, $0x1, v1  }
0xaf: {  	v31 =	vld [tilespmem:$0x500];
	vm7 =	vgt.s32 v6, $0x0;
	v30 =	vsel vm6, $0x1, v1;
	v4 =	vadd.s32 v28, v9  }
0xb0: {  	v33 =	vld [tilespmem:$0x510];
	vm8 =	vgt.s32 v7, $0x0;
	v32 =	vsel vm7, $0x1, v1;
	v4 =	vadd.s32 v30, v4  }
0xb1: {  	v35 =	vld [tilespmem:$0x520];
	vm9 =	vgt.s32 v8, $0x0;
	v34 =	vsel vm8, $0x1, v1;
	v4 =	vadd.s32 v32, v4  }
0xb2: {  	v36 =	vsel vm9, $0x1, v1;
	v4 =	vadd.s32 v34, v4;
	vm10 =	vgt.s32 v3, $0x0;
	v3 =	vld [tilespmem:$0x530]  }
0xb3: {  	v38 =	vld [tilespmem:$0x540];
	vm11 =	vgt.s32 v29, $0x0;
	v4 =	vadd.s32 v36, v4;
	v37 =	vsel vm10, $0x1, v1  }
0xb4: {  	v40 =	vld [tilespmem:$0x550];
	vm12 =	vgt.s32 v31, $0x0;
	v39 =	vsel vm11, $0x1, v1;
	v4 =	vadd.s32 v37, v4  }
0xb5: {  	v42 =	vld [tilespmem:$0x560];
	vm13 =	vgt.s32 v33, $0x0;
	v41 =	vsel vm12, $0x1, v1;
	v4 =	vadd.s32 v39, v4  }
0xb6: {  	v44 =	vld [tilespmem:$0x570];
	vm14 =	vgt.s32 v35, $0x0;
	v43 =	vsel vm13, $0x1, v1;
	v4 =	vadd.s32 v41, v4  }
0xb7: {  	v45 =	vsel vm14, $0x1, v1;
	v4 =	vadd.s32 v43, v4;
	vm15 =	vgt.s32 v3, $0x0;
	v3 =	vld [tilespmem:$0x580]  }
0xb8: {  	v47 =	vld [tilespmem:$0x590];
	vm4 =	vgt.s32 v38, $0x0;
	v4 =	vadd.s32 v45, v4;
	v46 =	vsel vm15, $0x1, v1  }
0xb9: {  	v49 =	vld [tilespmem:$0x5A0];
	vm5 =	vgt.s32 v40, $0x0;
	v48 =	vsel vm4, $0x1, v1;
	v4 =	vadd.s32 v46, v4  }
0xba: {  	v51 =	vld [tilespmem:$0x5B0];
	v50 =	vsel vm5, $0x1, v1;
	vm6 =	vgt.s32 v42, $0x0;
	v4 =	vadd.s32 v48, v4  }
0xbb: {  	v53 =	vld [tilespmem:$0x5C0];
	vm7 =	vgt.s32 v44, $0x0;
	v52 =	vsel vm6, $0x1, v1;
	v4 =	vadd.s32 v50, v4  }
0xbc: {  	v54 =	vsel vm7, $0x1, v1;
	v4 =	vadd.s32 v52, v4;
	vm8 =	vgt.s32 v3, $0x0;
	v3 =	vld [tilespmem:$0x5D0]  }
0xbd: {  	v56 =	vld [tilespmem:$0x5E0];
	vm9 =	vgt.s32 v47, $0x0;
	v4 =	vadd.s32 v54, v4;
	v55 =	vsel vm8, $0x1, v1  }
0xbe: {  	v58 =	vld [tilespmem:$0x5F0];
	v57 =	vsel vm9, $0x1, v1;
	vm10 =	vgt.s32 v49, $0x0;
	v4 =	vadd.s32 v55, v4  }
0xbf: {  	vm11 =	vgt.s32 v51, $0x0;
	v59 =	vsel vm10, $0x1, v1;
	v4 =	vadd.s32 v57, v4  }
0xc0: {  	vm12 =	vgt.s32 v53, $0x0;
	v7 =	vsel vm11, $0x1, v1;
	v4 =	vadd.s32 v59, v4  }
0xc1: {  	v60 =	vsel vm12, $0x1, v1;
	v4 =	vadd.s32 v7, v4;
	vm13 =	vgt.s32 v3, $0x0  }
0xc2: {  	vm14 =	vgt.s32 v56, $0x0;
	v3 =	vadd.s32 v60, v4;
	v61 =	vsel vm13, $0x1, v1  }
0xc3: {  	v62 =	vsel vm14, $0x1, v1;
	vm15 =	vgt.s32 v58, $0x0;
	v3 =	vadd.s32 v61, v3  }
0xc4: {  	v63 =	vsel vm15, $0x1, v1;
	v3 =	vadd.s32 v62, v3  }
0xc5: {  	v3 =	vadd.s32 v63, v3  }
0xc6: {  	(xrf0) =	vadd.scan.msk.s32 $0xffff, v3;
	_ =	sdelay $0x5  }
0xc7: {  	v3, _, _ =	vpop (xrf0)  }
0xc8: {  	v3 =	vbroadcast v3, $0xF;
	_ =	sdelay $0x1  }
0xc9: {  	[tilespmem:$0x600] =	vst v3  }
0xca: {  	[hbm4b:s4+s2] =	stream.linear.scatter [tilespmem:s10], [sflag:$0x1], $0x180, $0x38;
	[tilespmem:$0x610] =	vst v63  }
0xcb: {  	_ =	swait.ge [sflag:s8], $0x180  }
0xcc: {  	p0 =	sne.s32 s7, $0x1;
	[sflag:s8] =	ssyncset.done $0x0  }
.Ltmp1:
0xcd: {  	[sflag:s8] =	ssyncadd.s32 $0xFFFFFE80;
	(pc) =	sbr.rel @p0 .LBB2_2-.Ltmp1, $4  }
0xce: {  	[hbm4b:s5+s2] =	stream.linear.scatter [tilespmem:s12], [sflag:$0x1], $0x10, $0x38;
	[tilespmem:$0x610] =	vst v63  }
0xcf: {  	_ =	swait.ge [sflag:s8], $0x10  }
0xd0: {  	[sflag:s8] =	ssyncset.done $0x0  }
0xd1: {  	s7 =	sadd.s32 $0xFFFFFFFF, s7;
	[sflag:s8] =	ssyncadd.s32 $0xFFFFFFF0  }
.LBB2_3:
0xd2: {  	_ =	sfence.sel $0x180000  }
0xd3: {  	[bflag:$0x0] =	sbarrier.arrive $0xFFFF  }
0xd4: {  	p0 =	sne.s32 s1, $0x0;
	_ =	strace $0x90000047  }
0xd5: {  	s0 =	sadd.s32 @!p0 $0x100000, s0;
	[bflag:$0x2] =	sbarrier.arrive $0xFFFF  }
0xd6: {  	[sflag:s0] =	ssyncadd.tile.s32 @!p0 $0x1;
	_ =	shalt  }
.Lfunc_end2:
_tile_overlayer_lowered:
.L_overlay_start_2:
0xd7: {  	(tag) =	ssettag $0x2  }
0xd8: {  	s0 =	rddreg [dreg:$0x0];
	s2 =	stileid.u32  }
0xd9: {  	s1 =	rddreg [dreg:$0x1];
	p0 =	sne.s32 s2, $0x0  }
0xda: {  	s3 =	rddreg [dreg:$0x2];
	[bflag:$0x3] =	sbarrier.arrive $0xFFFF;
	s2 =	simm.s32 @!p0 $0x1C01  }
0xdb: {  	[timem:s3], [sflag:s2] =	dma.local @!p0 [hbm:s0], s1  }
0xdc: {  	s0 =	simm.s32 @!p0 $0x1  }
0xdd: {  	_ =	swait.ge @!p0 [sflag:s0], s1  }
0xde: {  	s1 =	ssub.s32 @!p0 $0x0, s1;
	[sflag:s0] =	ssyncset.done @!p0 $0x0  }
0xdf: {  	[sflag:s0] =	ssyncadd.s32 @!p0 s1  }
0xe0: {  	[bflag:$0x3] =	sbarrier.arrive $0xFFFF  }
0xe1: {  	_ =	shalt  }

</sc_bundles>
